<compile_context>
chip_gen: v7x
topology: tpu7x:2x2x1
jax: 0.10.2.dev20260603
libtpu: 0.0.44.dev20260713+nightly
codegen_flags: <defaults>
</compile_context>

<pallas_src>
import functools
import math

import jax
import jax.numpy as jnp
from jax import lax
from jax.experimental import pallas as pl
from jax.experimental.pallas import tpu as pltpu
from jax.experimental.pallas import tpu_sc as plsc

_LANES = 16
_CHUNK = 128
_K = 2
_NSLOT = 6


def kernel(x, W):
    B, F = x.shape
    V, D = W.shape
    N = B * F
    scale = math.sqrt(D)

    info = plsc.get_sparse_core_info()
    NC, NS = info.num_cores, info.num_subcores
    NW = NC * NS
    b_per_w = N // NW
    rows_per_step = _K * _CHUNK
    n_steps = b_per_w // rows_per_step

    idx = x.reshape(N).astype(jnp.int32)

    mesh = plsc.VectorSubcoreMesh(core_axis_name="c", subcore_axis_name="s")

    @functools.partial(
        pl.kernel,
        out_type=jax.ShapeDtypeStruct((N, D), W.dtype),
        mesh=mesh,
        compiler_params=pltpu.CompilerParams(use_tc_tiling_on_sc=False),
        scratch_types=[
            pltpu.VMEM((b_per_w,), jnp.int32),
            [pltpu.VMEM((rows_per_step, D), jnp.float32)] * _NSLOT,
            [pltpu.SemaphoreType.DMA] * _NSLOT,
            [pltpu.SemaphoreType.DMA] * _NSLOT,
        ],
    )
    def sc_embed(idx_hbm, w_hbm, out_hbm, idx_v, bufs, gsems, wsems):
        wid = lax.axis_index("s") * NC + lax.axis_index("c")
        base = wid * b_per_w
        pltpu.sync_copy(idx_hbm.at[pl.ds(base, b_per_w)], idx_v)

        def gather(step, s, j):
            off = pl.multiple_of(step * rows_per_step + j * _CHUNK, _CHUNK)
            return pltpu.make_async_copy(
                w_hbm.at[idx_v.at[pl.ds(off, _CHUNK)]],
                bufs[s].at[pl.ds(j * _CHUNK, _CHUNK)],
                gsems[s],
            )

        def writeback(step, s):
            off = pl.multiple_of(step * rows_per_step, rows_per_step)
            return pltpu.make_async_copy(
                bufs[s], out_hbm.at[pl.ds(base + off, rows_per_step)], wsems[s]
            )

        for t in range(_NSLOT - 1):
            for j in range(_K):
                gather(t, t, j).start()

        @pl.loop(0, n_steps)
        def _(h):
            for s in range(_NSLOT):

                @pl.when(h % _NSLOT == s)
                def _():
                    for j in range(_K):
                        gather(h, s, j).wait()

                    @pl.loop(0, rows_per_step)
                    def _(r):
                        for c in range(D // _LANES):
                            sl = (r, pl.ds(c * _LANES, _LANES))
                            bufs[s][sl] = bufs[s][sl] * scale

                    writeback(h, s).start()

                    s2 = (s + _NSLOT - 1) % _NSLOT

                    @pl.when(h + _NSLOT - 1 < n_steps)
                    def _():
                        @pl.when(h >= 1)
                        def _():
                            writeback(h - 1, s2).wait()

                        for j in range(_K):
                            gather(h + _NSLOT - 1, s2, j).start()

        for s in range(_NSLOT):
            last = n_steps - 1 - (n_steps - 1 - s) % _NSLOT
            writeback(last, s).wait()

    out = sc_embed(idx, W)
    return out.reshape(B, F, D)

# --- scband reference (transcript-rebuilt; emitter-appended) ---
"""Pipeline reference for scband-embedding-17360257810689 (READ-ONLY COPY).

The authoritative reference and input builder live on the scoring server;
editing this copy changes nothing except your own understanding.
"""

import math
import jax, jax.numpy as jnp
import numpy as np

VOCAB = 1000000
D_MODEL = 64
BATCH = 16384
FIELDS = 26


def setup_inputs(seed: int = 0) -> dict:
    key = jax.random.key(seed)
    k1, k2 = jax.random.split(key)
    x = jax.random.randint(k1, (BATCH, FIELDS), 0, VOCAB, dtype=jnp.int64)
    # Embedding weight initialized as normal(0, d_model ** -0.5)
    W = jax.random.normal(k2, (VOCAB, D_MODEL), dtype=jnp.float32) * (D_MODEL ** -0.5)
    return {"x": x, "W": W}


def reference(x, W):
    # nn.Embedding lookup followed by scaling with sqrt(d_model)
    emb = jnp.take(W, x, axis=0)
    return emb * math.sqrt(D_MODEL)

if __name__ == "__main__":
    import jax
    _d = setup_inputs()
    print(jax.jit(kernel)(*tuple(_d.values())))

</pallas_src>

<mosaic_0001>
#map = affine_map<(d0, d1) -> (0)>
#map1 = affine_map<(d0, d1) -> (0, 0)>
module attributes {stable_mosaic.version = 14 : i64} {
  func.func @sc_embed(%arg0: i32, %arg1: i32, %arg2: memref<425984xi32, #tpu.memory_space<hbm>>, %arg3: memref<1000000x64xf32, #tpu.memory_space<hbm>>, %arg4: memref<425984x64xf32, #tpu.memory_space<hbm>>, %arg5: memref<13312xi32, #tpu.memory_space<vmem>>, %arg6: memref<256x64xf32, #tpu.memory_space<vmem>>, %arg7: memref<256x64xf32, #tpu.memory_space<vmem>>, %arg8: memref<256x64xf32, #tpu.memory_space<vmem>>, %arg9: memref<256x64xf32, #tpu.memory_space<vmem>>, %arg10: memref<256x64xf32, #tpu.memory_space<vmem>>, %arg11: memref<256x64xf32, #tpu.memory_space<vmem>>, %arg12: memref<!tpu.dma_semaphore, #tpu.memory_space<semaphore_mem>>, %arg13: memref<!tpu.dma_semaphore, #tpu.memory_space<semaphore_mem>>, %arg14: memref<!tpu.dma_semaphore, #tpu.memory_space<semaphore_mem>>, %arg15: memref<!tpu.dma_semaphore, #tpu.memory_space<semaphore_mem>>, %arg16: memref<!tpu.dma_semaphore, #tpu.memory_space<semaphore_mem>>, %arg17: memref<!tpu.dma_semaphore, #tpu.memory_space<semaphore_mem>>, %arg18: memref<!tpu.dma_semaphore, #tpu.memory_space<semaphore_mem>>, %arg19: memref<!tpu.dma_semaphore, #tpu.memory_space<semaphore_mem>>, %arg20: memref<!tpu.dma_semaphore, #tpu.memory_space<semaphore_mem>>, %arg21: memref<!tpu.dma_semaphore, #tpu.memory_space<semaphore_mem>>, %arg22: memref<!tpu.dma_semaphore, #tpu.memory_space<semaphore_mem>>, %arg23: memref<!tpu.dma_semaphore, #tpu.memory_space<semaphore_mem>>) attributes {dimension_semantics = [#tpu.dimension_semantics<core_parallel>, #tpu.dimension_semantics<subcore_parallel>], iteration_bounds = array<i64: 2, 16>, scalar_prefetch = 0 : i64, scratch_operands = 19 : i64, tpu.core_type = #tpu.core_type<sc_vector_subcore>, window_params = [{transform_indices = #map}, {transform_indices = #map1}, {transform_indices = #map1}]} {
    %mul3A = arith.constant 2 : i32
    %mul3A_0 = arith.muli %arg1, %mul3A : i32
    %add3A = arith.addi %mul3A_0, %arg0 : i32
    %mul3A_1 = arith.constant 13312 : i32
    %mul3A_2 = arith.muli %add3A, %mul3A_1 : i32
    "tpu.region"() ({
      %run_scoped3A = tpu.sem_alloc : memref<!tpu.dma_semaphore, #tpu.memory_space<semaphore_mem>>
      %dma_start3A_136 = tpu.memref_slice %arg2[%mul3A_2] : memref<425984xi32, #tpu.memory_space<hbm>> -> memref<13312xi32, #tpu.memory_space<hbm>>
      %dma_start3A_137 = tpu.memref_slice %arg2[%mul3A_2] : memref<425984xi32, #tpu.memory_space<hbm>> -> memref<13312xi32, #tpu.memory_space<hbm>>
      tpu.enqueue_dma source(%dma_start3A_137 : memref<13312xi32, #tpu.memory_space<hbm>>) target(%arg5 : memref<13312xi32, #tpu.memory_space<vmem>>) target_semaphore(%run_scoped3A : memref<!tpu.dma_semaphore, #tpu.memory_space<semaphore_mem>>)
      %dma_wait3A_138 = tpu.memref_slice %arg2[%mul3A_2] : memref<425984xi32, #tpu.memory_space<hbm>> -> memref<13312xi32, #tpu.memory_space<hbm>>
      %dma_wait3A_139 = tpu.memref_slice %arg2[%mul3A_2] : memref<425984xi32, #tpu.memory_space<hbm>> -> memref<13312xi32, #tpu.memory_space<hbm>>
      tpu.wait_dma2 semaphore(%run_scoped3A : memref<!tpu.dma_semaphore, #tpu.memory_space<semaphore_mem>>) src(%dma_wait3A_139 : memref<13312xi32, #tpu.memory_space<hbm>>) dst(%arg5 : memref<13312xi32, #tpu.memory_space<vmem>>)
      tpu.yield
    }) : () -> ()
    %multiple_of3A = arith.constant 0 : i32
    %multiple_of3A_3 = tpu.assume_multiple %multiple_of3A, 128 : i32
    %dma_start3A = arith.constant 0 : i32
    %dma_start3A_4 = arith.constant 0 : i32
    %dma_start3A_5 = tpu.memref_slice %arg6[%dma_start3A, %dma_start3A_4] : memref<256x64xf32, #tpu.memory_space<vmem>> -> memref<128x64xf32, #tpu.memory_space<vmem>>
    %dma_start3A_6 = tpu.memref_slice %arg5[%multiple_of3A_3] : memref<13312xi32, #tpu.memory_space<vmem>> -> memref<128xi32, #tpu.memory_space<vmem>>
    %dma_start3A_7 = arith.constant 0 : i32
    %dma_start3A_8 = arith.constant 0 : i32
    %dma_start3A_9 = tpu.memref_slice %arg3[%dma_start3A_7, %dma_start3A_8] : memref<1000000x64xf32, #tpu.memory_space<hbm>> -> memref<1000000x64xf32, #tpu.memory_space<hbm>>
    tpu.enqueue_indirect_dma source(%dma_start3A_9 : memref<1000000x64xf32, #tpu.memory_space<hbm>>) target(%dma_start3A_5 : memref<128x64xf32, #tpu.memory_space<vmem>>) offsets(%dma_start3A_6 : memref<128xi32, #tpu.memory_space<vmem>>) semaphore(%arg12 : memref<!tpu.dma_semaphore, #tpu.memory_space<semaphore_mem>>)
    %multiple_of3A_10 = arith.constant 128 : i32
    %multiple_of3A_11 = tpu.assume_multiple %multiple_of3A_10, 128 : i32
    %dma_start3A_12 = arith.constant 128 : i32
    %dma_start3A_13 = arith.constant 0 : i32
    %dma_start3A_14 = tpu.memref_slice %arg6[%dma_start3A_12, %dma_start3A_13] : memref<256x64xf32, #tpu.memory_space<vmem>> -> memref<128x64xf32, #tpu.memory_space<vmem>>
    %dma_start3A_15 = tpu.memref_slice %arg5[%multiple_of3A_11] : memref<13312xi32, #tpu.memory_space<vmem>> -> memref<128xi32, #tpu.memory_space<vmem>>
    %dma_start3A_16 = arith.constant 0 : i32
    %dma_start3A_17 = arith.constant 0 : i32
    %dma_start3A_18 = tpu.memref_slice %arg3[%dma_start3A_16, %dma_start3A_17] : memref<1000000x64xf32, #tpu.memory_space<hbm>> -> memref<1000000x64xf32, #tpu.memory_space<hbm>>
    tpu.enqueue_indirect_dma source(%dma_start3A_18 : memref<1000000x64xf32, #tpu.memory_space<hbm>>) target(%dma_start3A_14 : memref<128x64xf32, #tpu.memory_space<vmem>>) offsets(%dma_start3A_15 : memref<128xi32, #tpu.memory_space<vmem>>) semaphore(%arg12 : memref<!tpu.dma_semaphore, #tpu.memory_space<semaphore_mem>>)
    %multiple_of3A_19 = arith.constant 256 : i32
    %multiple_of3A_20 = tpu.assume_multiple %multiple_of3A_19, 128 : i32
    %dma_start3A_21 = arith.constant 0 : i32
    %dma_start3A_22 = arith.constant 0 : i32
    %dma_start3A_23 = tpu.memref_slice %arg7[%dma_start3A_21, %dma_start3A_22] : memref<256x64xf32, #tpu.memory_space<vmem>> -> memref<128x64xf32, #tpu.memory_space<vmem>>
    %dma_start3A_24 = tpu.memref_slice %arg5[%multiple_of3A_20] : memref<13312xi32, #tpu.memory_space<vmem>> -> memref<128xi32, #tpu.memory_space<vmem>>
    %dma_start3A_25 = arith.constant 0 : i32
    %dma_start3A_26 = arith.constant 0 : i32
    %dma_start3A_27 = tpu.memref_slice %arg3[%dma_start3A_25, %dma_start3A_26] : memref<1000000x64xf32, #tpu.memory_space<hbm>> -> memref<1000000x64xf32, #tpu.memory_space<hbm>>
    tpu.enqueue_indirect_dma source(%dma_start3A_27 : memref<1000000x64xf32, #tpu.memory_space<hbm>>) target(%dma_start3A_23 : memref<128x64xf32, #tpu.memory_space<vmem>>) offsets(%dma_start3A_24 : memref<128xi32, #tpu.memory_space<vmem>>) semaphore(%arg13 : memref<!tpu.dma_semaphore, #tpu.memory_space<semaphore_mem>>)
    %multiple_of3A_28 = arith.constant 384 : i32
    %multiple_of3A_29 = tpu.assume_multiple %multiple_of3A_28, 128 : i32
    %dma_start3A_30 = arith.constant 128 : i32
    %dma_start3A_31 = arith.constant 0 : i32
    %dma_start3A_32 = tpu.memref_slice %arg7[%dma_start3A_30, %dma_start3A_31] : memref<256x64xf32, #tpu.memory_space<vmem>> -> memref<128x64xf32, #tpu.memory_space<vmem>>
    %dma_start3A_33 = tpu.memref_slice %arg5[%multiple_of3A_29] : memref<13312xi32, #tpu.memory_space<vmem>> -> memref<128xi32, #tpu.memory_space<vmem>>
    %dma_start3A_34 = arith.constant 0 : i32
    %dma_start3A_35 = arith.constant 0 : i32
    %dma_start3A_36 = tpu.memref_slice %arg3[%dma_start3A_34, %dma_start3A_35] : memref<1000000x64xf32, #tpu.memory_space<hbm>> -> memref<1000000x64xf32, #tpu.memory_space<hbm>>
    tpu.enqueue_indirect_dma source(%dma_start3A_36 : memref<1000000x64xf32, #tpu.memory_space<hbm>>) target(%dma_start3A_32 : memref<128x64xf32, #tpu.memory_space<vmem>>) offsets(%dma_start3A_33 : memref<128xi32, #tpu.memory_space<vmem>>) semaphore(%arg13 : memref<!tpu.dma_semaphore, #tpu.memory_space<semaphore_mem>>)
    %multiple_of3A_37 = arith.constant 512 : i32
    %multiple_of3A_38 = tpu.assume_multiple %multiple_of3A_37, 128 : i32
    %dma_start3A_39 = arith.constant 0 : i32
    %dma_start3A_40 = arith.constant 0 : i32
    %dma_start3A_41 = tpu.memref_slice %arg8[%dma_start3A_39, %dma_start3A_40] : memref<256x64xf32, #tpu.memory_space<vmem>> -> memref<128x64xf32, #tpu.memory_space<vmem>>
    %dma_start3A_42 = tpu.memref_slice %arg5[%multiple_of3A_38] : memref<13312xi32, #tpu.memory_space<vmem>> -> memref<128xi32, #tpu.memory_space<vmem>>
    %dma_start3A_43 = arith.constant 0 : i32
    %dma_start3A_44 = arith.constant 0 : i32
    %dma_start3A_45 = tpu.memref_slice %arg3[%dma_start3A_43, %dma_start3A_44] : memref<1000000x64xf32, #tpu.memory_space<hbm>> -> memref<1000000x64xf32, #tpu.memory_space<hbm>>
    tpu.enqueue_indirect_dma source(%dma_start3A_45 : memref<1000000x64xf32, #tpu.memory_space<hbm>>) target(%dma_start3A_41 : memref<128x64xf32, #tpu.memory_space<vmem>>) offsets(%dma_start3A_42 : memref<128xi32, #tpu.memory_space<vmem>>) semaphore(%arg14 : memref<!tpu.dma_semaphore, #tpu.memory_space<semaphore_mem>>)
    %multiple_of3A_46 = arith.constant 640 : i32
    %multiple_of3A_47 = tpu.assume_multiple %multiple_of3A_46, 128 : i32
    %dma_start3A_48 = arith.constant 128 : i32
    %dma_start3A_49 = arith.constant 0 : i32
    %dma_start3A_50 = tpu.memref_slice %arg8[%dma_start3A_48, %dma_start3A_49] : memref<256x64xf32, #tpu.memory_space<vmem>> -> memref<128x64xf32, #tpu.memory_space<vmem>>
    %dma_start3A_51 = tpu.memref_slice %arg5[%multiple_of3A_47] : memref<13312xi32, #tpu.memory_space<vmem>> -> memref<128xi32, #tpu.memory_space<vmem>>
    %dma_start3A_52 = arith.constant 0 : i32
    %dma_start3A_53 = arith.constant 0 : i32
    %dma_start3A_54 = tpu.memref_slice %arg3[%dma_start3A_52, %dma_start3A_53] : memref<1000000x64xf32, #tpu.memory_space<hbm>> -> memref<1000000x64xf32, #tpu.memory_space<hbm>>
    tpu.enqueue_indirect_dma source(%dma_start3A_54 : memref<1000000x64xf32, #tpu.memory_space<hbm>>) target(%dma_start3A_50 : memref<128x64xf32, #tpu.memory_space<vmem>>) offsets(%dma_start3A_51 : memref<128xi32, #tpu.memory_space<vmem>>) semaphore(%arg14 : memref<!tpu.dma_semaphore, #tpu.memory_space<semaphore_mem>>)
    %multiple_of3A_55 = arith.constant 768 : i32
    %multiple_of3A_56 = tpu.assume_multiple %multiple_of3A_55, 128 : i32
    %dma_start3A_57 = arith.constant 0 : i32
    %dma_start3A_58 = arith.constant 0 : i32
    %dma_start3A_59 = tpu.memref_slice %arg9[%dma_start3A_57, %dma_start3A_58] : memref<256x64xf32, #tpu.memory_space<vmem>> -> memref<128x64xf32, #tpu.memory_space<vmem>>
    %dma_start3A_60 = tpu.memref_slice %arg5[%multiple_of3A_56] : memref<13312xi32, #tpu.memory_space<vmem>> -> memref<128xi32, #tpu.memory_space<vmem>>
    %dma_start3A_61 = arith.constant 0 : i32
    %dma_start3A_62 = arith.constant 0 : i32
    %dma_start3A_63 = tpu.memref_slice %arg3[%dma_start3A_61, %dma_start3A_62] : memref<1000000x64xf32, #tpu.memory_space<hbm>> -> memref<1000000x64xf32, #tpu.memory_space<hbm>>
    tpu.enqueue_indirect_dma source(%dma_start3A_63 : memref<1000000x64xf32, #tpu.memory_space<hbm>>) target(%dma_start3A_59 : memref<128x64xf32, #tpu.memory_space<vmem>>) offsets(%dma_start3A_60 : memref<128xi32, #tpu.memory_space<vmem>>) semaphore(%arg15 : memref<!tpu.dma_semaphore, #tpu.memory_space<semaphore_mem>>)
    %multiple_of3A_64 = arith.constant 896 : i32
    %multiple_of3A_65 = tpu.assume_multiple %multiple_of3A_64, 128 : i32
    %dma_start3A_66 = arith.constant 128 : i32
    %dma_start3A_67 = arith.constant 0 : i32
    %dma_start3A_68 = tpu.memref_slice %arg9[%dma_start3A_66, %dma_start3A_67] : memref<256x64xf32, #tpu.memory_space<vmem>> -> memref<128x64xf32, #tpu.memory_space<vmem>>
    %dma_start3A_69 = tpu.memref_slice %arg5[%multiple_of3A_65] : memref<13312xi32, #tpu.memory_space<vmem>> -> memref<128xi32, #tpu.memory_space<vmem>>
    %dma_start3A_70 = arith.constant 0 : i32
    %dma_start3A_71 = arith.constant 0 : i32
    %dma_start3A_72 = tpu.memref_slice %arg3[%dma_start3A_70, %dma_start3A_71] : memref<1000000x64xf32, #tpu.memory_space<hbm>> -> memref<1000000x64xf32, #tpu.memory_space<hbm>>
    tpu.enqueue_indirect_dma source(%dma_start3A_72 : memref<1000000x64xf32, #tpu.memory_space<hbm>>) target(%dma_start3A_68 : memref<128x64xf32, #tpu.memory_space<vmem>>) offsets(%dma_start3A_69 : memref<128xi32, #tpu.memory_space<vmem>>) semaphore(%arg15 : memref<!tpu.dma_semaphore, #tpu.memory_space<semaphore_mem>>)
    %multiple_of3A_73 = arith.constant 1024 : i32
    %multiple_of3A_74 = tpu.assume_multiple %multiple_of3A_73, 128 : i32
    %dma_start3A_75 = arith.constant 0 : i32
    %dma_start3A_76 = arith.constant 0 : i32
    %dma_start3A_77 = tpu.memref_slice %arg10[%dma_start3A_75, %dma_start3A_76] : memref<256x64xf32, #tpu.memory_space<vmem>> -> memref<128x64xf32, #tpu.memory_space<vmem>>
    %dma_start3A_78 = tpu.memref_slice %arg5[%multiple_of3A_74] : memref<13312xi32, #tpu.memory_space<vmem>> -> memref<128xi32, #tpu.memory_space<vmem>>
    %dma_start3A_79 = arith.constant 0 : i32
    %dma_start3A_80 = arith.constant 0 : i32
    %dma_start3A_81 = tpu.memref_slice %arg3[%dma_start3A_79, %dma_start3A_80] : memref<1000000x64xf32, #tpu.memory_space<hbm>> -> memref<1000000x64xf32, #tpu.memory_space<hbm>>
    tpu.enqueue_indirect_dma source(%dma_start3A_81 : memref<1000000x64xf32, #tpu.memory_space<hbm>>) target(%dma_start3A_77 : memref<128x64xf32, #tpu.memory_space<vmem>>) offsets(%dma_start3A_78 : memref<128xi32, #tpu.memory_space<vmem>>) semaphore(%arg16 : memref<!tpu.dma_semaphore, #tpu.memory_space<semaphore_mem>>)
    %multiple_of3A_82 = arith.constant 1152 : i32
    %multiple_of3A_83 = tpu.assume_multiple %multiple_of3A_82, 128 : i32
    %dma_start3A_84 = arith.constant 128 : i32
    %dma_start3A_85 = arith.constant 0 : i32
    %dma_start3A_86 = tpu.memref_slice %arg10[%dma_start3A_84, %dma_start3A_85] : memref<256x64xf32, #tpu.memory_space<vmem>> -> memref<128x64xf32, #tpu.memory_space<vmem>>
    %dma_start3A_87 = tpu.memref_slice %arg5[%multiple_of3A_83] : memref<13312xi32, #tpu.memory_space<vmem>> -> memref<128xi32, #tpu.memory_space<vmem>>
    %dma_start3A_88 = arith.constant 0 : i32
    %dma_start3A_89 = arith.constant 0 : i32
    %dma_start3A_90 = tpu.memref_slice %arg3[%dma_start3A_88, %dma_start3A_89] : memref<1000000x64xf32, #tpu.memory_space<hbm>> -> memref<1000000x64xf32, #tpu.memory_space<hbm>>
    tpu.enqueue_indirect_dma source(%dma_start3A_90 : memref<1000000x64xf32, #tpu.memory_space<hbm>>) target(%dma_start3A_86 : memref<128x64xf32, #tpu.memory_space<vmem>>) offsets(%dma_start3A_87 : memref<128xi32, #tpu.memory_space<vmem>>) semaphore(%arg16 : memref<!tpu.dma_semaphore, #tpu.memory_space<semaphore_mem>>)
    %scan3A = arith.constant 0 : i32
    %scan3A_91 = arith.constant 52 : i32
    %scan3A_92 = arith.addi %scan3A, %scan3A_91 : i32
    %scan3A_93 = arith.constant 1 : i32
    scf.for %scan3A_136 = %scan3A to %scan3A_92 step %scan3A_93  : i32 {
      %mul3A_137 = arith.constant 1 : i32
      %mul3A_138 = arith.muli %scan3A_136, %mul3A_137 : i32
      %add3A_139 = arith.constant 0 : i32
      %add3A_140 = arith.addi %add3A_139, %mul3A_138 : i32
      %jit3A = arith.constant 6 : i32
      %eq3A = arith.constant 0 : i32
      %eq3A_141 = arith.cmpi eq, %jit3A, %eq3A : i32
      %jit3A_142 = arith.constant 1 : i32
      %select_n3A = arith.select %eq3A_141, %jit3A_142, %jit3A : i32
      %rem3A = arith.remsi %add3A_140, %select_n3A : i32
      %ne3A = arith.constant 0 : i32
      %ne3A_143 = arith.cmpi ne, %rem3A, %ne3A : i32
      %lt3A = arith.constant 0 : i32
      %lt3A_144 = arith.cmpi slt, %rem3A, %lt3A : i32
      %lt3A_145 = arith.constant 0 : i32
      %lt3A_146 = arith.cmpi slt, %select_n3A, %lt3A_145 : i32
      %ne3A_147 = arith.xori %lt3A_144, %lt3A_146 : i1
      %and3A = arith.andi %ne3A_147, %ne3A_143 : i1
      %add3A_148 = arith.addi %rem3A, %select_n3A : i32
      %select_n3A_149 = arith.select %and3A, %add3A_148, %rem3A : i32
      %eq3A_150 = arith.constant 0 : i32
      %eq3A_151 = arith.cmpi eq, %select_n3A_149, %eq3A_150 : i32
      %convert_element_type3A = arith.extui %eq3A_151 : i1 to i32
      %cond3A = arith.constant 0 : i32
      %cond3A_152 = arith.cmpi ne, %convert_element_type3A, %cond3A : i32
      scf.if %cond3A_152 {
        %mul3A_258 = arith.constant 256 : i32
        %mul3A_259 = arith.muli %add3A_140, %mul3A_258 : i32
        %add3A_260 = arith.constant 0 : i32
        %add3A_261 = arith.addi %mul3A_259, %add3A_260 : i32
        %multiple_of3A_262 = tpu.assume_multiple %add3A_261, 128 : i32
        %dma_wait3A_263 = arith.constant 0 : i32
        %dma_wait3A_264 = arith.constant 0 : i32
        %dma_wait3A_265 = tpu.memref_slice %arg6[%dma_wait3A_263, %dma_wait3A_264] : memref<256x64xf32, #tpu.memory_space<vmem>> -> memref<128x64xf32, #tpu.memory_space<vmem>>
        %dma_wait3A_266 = tpu.memref_slice %arg5[%multiple_of3A_262] : memref<13312xi32, #tpu.memory_space<vmem>> -> memref<128xi32, #tpu.memory_space<vmem>>
        %dma_wait3A_267 = arith.constant 0 : i32
        %dma_wait3A_268 = arith.constant 0 : i32
        %dma_wait3A_269 = tpu.memref_slice %arg3[%dma_wait3A_267, %dma_wait3A_268] : memref<1000000x64xf32, #tpu.memory_space<hbm>> -> memref<1000000x64xf32, #tpu.memory_space<hbm>>
        tpu.wait_indirect_dma semaphore(%arg12 : memref<!tpu.dma_semaphore, #tpu.memory_space<semaphore_mem>>) src(%dma_wait3A_269 : memref<1000000x64xf32, #tpu.memory_space<hbm>>) dst(%dma_wait3A_265 : memref<128x64xf32, #tpu.memory_space<vmem>>)
        %mul3A_270 = arith.constant 256 : i32
        %mul3A_271 = arith.muli %add3A_140, %mul3A_270 : i32
        %add3A_272 = arith.constant 128 : i32
        %add3A_273 = arith.addi %mul3A_271, %add3A_272 : i32
        %multiple_of3A_274 = tpu.assume_multiple %add3A_273, 128 : i32
        %dma_wait3A_275 = arith.constant 128 : i32
        %dma_wait3A_276 = arith.constant 0 : i32
        %dma_wait3A_277 = tpu.memref_slice %arg6[%dma_wait3A_275, %dma_wait3A_276] : memref<256x64xf32, #tpu.memory_space<vmem>> -> memref<128x64xf32, #tpu.memory_space<vmem>>
        %dma_wait3A_278 = tpu.memref_slice %arg5[%multiple_of3A_274] : memref<13312xi32, #tpu.memory_space<vmem>> -> memref<128xi32, #tpu.memory_space<vmem>>
        %dma_wait3A_279 = arith.constant 0 : i32
        %dma_wait3A_280 = arith.constant 0 : i32
        %dma_wait3A_281 = tpu.memref_slice %arg3[%dma_wait3A_279, %dma_wait3A_280] : memref<1000000x64xf32, #tpu.memory_space<hbm>> -> memref<1000000x64xf32, #tpu.memory_space<hbm>>
        tpu.wait_indirect_dma semaphore(%arg12 : memref<!tpu.dma_semaphore, #tpu.memory_space<semaphore_mem>>) src(%dma_wait3A_281 : memref<1000000x64xf32, #tpu.memory_space<hbm>>) dst(%dma_wait3A_277 : memref<128x64xf32, #tpu.memory_space<vmem>>)
        %scan3A_282 = arith.constant 0 : i32
        %scan3A_283 = arith.constant 256 : i32
        %scan3A_284 = arith.addi %scan3A_282, %scan3A_283 : i32
        %scan3A_285 = arith.constant 1 : i32
        scf.for %scan3A_303 = %scan3A_282 to %scan3A_284 step %scan3A_285  : i32 {
          %mul3A_304 = arith.constant 1 : i32
          %mul3A_305 = arith.muli %scan3A_303, %mul3A_304 : i32
          %add3A_306 = arith.constant 0 : i32
          %add3A_307 = arith.addi %add3A_306, %mul3A_305 : i32
          %get3A = arith.index_cast %add3A_307 : i32 to index
          %get3A_308 = arith.constant 0 : index
          %get3A_309 = tpu.vector_load %arg6[%get3A, %get3A_308] {strides = array<i32>} : memref<256x64xf32, #tpu.memory_space<vmem>>, vector<1x16xf32>,
          %get3A_310 = vector.shape_cast %get3A_309 : vector<1x16xf32> to vector<16xf32>
          %mul3A_311 = arith.constant 8.000000e+00 : f32
          %mul3A_312 = vector.broadcast %mul3A_311 : f32 to vector<16xf32>
          %mul3A_313 = arith.mulf %get3A_310, %mul3A_312 : vector<16xf32>
          %swap3A = arith.index_cast %add3A_307 : i32 to index
          %swap3A_314 = arith.constant 0 : index
          %swap3A_315 = tpu.vector_load %arg6[%swap3A, %swap3A_314] {strides = array<i32>} : memref<256x64xf32, #tpu.memory_space<vmem>>, vector<1x16xf32>,
          %swap3A_316 = vector.shape_cast %swap3A_315 : vector<1x16xf32> to vector<16xf32>
          %swap3A_317 = vector.shape_cast %mul3A_313 : vector<16xf32> to vector<1x16xf32>
          tpu.vector_store %arg6[%swap3A, %swap3A_314], %swap3A_317 {strides = array<i32>} : memref<256x64xf32, #tpu.memory_space<vmem>>, vector<1x16xf32>,
          %get3A_318 = arith.index_cast %add3A_307 : i32 to index
          %get3A_319 = arith.constant 16 : index
          %get3A_320 = tpu.vector_load %arg6[%get3A_318, %get3A_319] {strides = array<i32>} : memref<256x64xf32, #tpu.memory_space<vmem>>, vector<1x16xf32>,
          %get3A_321 = vector.shape_cast %get3A_320 : vector<1x16xf32> to vector<16xf32>
          %mul3A_322 = arith.constant 8.000000e+00 : f32
          %mul3A_323 = vector.broadcast %mul3A_322 : f32 to vector<16xf32>
          %mul3A_324 = arith.mulf %get3A_321, %mul3A_323 : vector<16xf32>
          %swap3A_325 = arith.index_cast %add3A_307 : i32 to index
          %swap3A_326 = arith.constant 16 : index
          %swap3A_327 = tpu.vector_load %arg6[%swap3A_325, %swap3A_326] {strides = array<i32>} : memref<256x64xf32, #tpu.memory_space<vmem>>, vector<1x16xf32>,
          %swap3A_328 = vector.shape_cast %swap3A_327 : vector<1x16xf32> to vector<16xf32>
          %swap3A_329 = vector.shape_cast %mul3A_324 : vector<16xf32> to vector<1x16xf32>
          tpu.vector_store %arg6[%swap3A_325, %swap3A_326], %swap3A_329 {strides = array<i32>} : memref<256x64xf32, #tpu.memory_space<vmem>>, vector<1x16xf32>,
          %get3A_330 = arith.index_cast %add3A_307 : i32 to index
          %get3A_331 = arith.constant 32 : index
          %get3A_332 = tpu.vector_load %arg6[%get3A_330, %get3A_331] {strides = array<i32>} : memref<256x64xf32, #tpu.memory_space<vmem>>, vector<1x16xf32>,
          %get3A_333 = vector.shape_cast %get3A_332 : vector<1x16xf32> to vector<16xf32>
          %mul3A_334 = arith.constant 8.000000e+00 : f32
          %mul3A_335 = vector.broadcast %mul3A_334 : f32 to vector<16xf32>
          %mul3A_336 = arith.mulf %get3A_333, %mul3A_335 : vector<16xf32>
          %swap3A_337 = arith.index_cast %add3A_307 : i32 to index
          %swap3A_338 = arith.constant 32 : index
          %swap3A_339 = tpu.vector_load %arg6[%swap3A_337, %swap3A_338] {strides = array<i32>} : memref<256x64xf32, #tpu.memory_space<vmem>>, vector<1x16xf32>,
          %swap3A_340 = vector.shape_cast %swap3A_339 : vector<1x16xf32> to vector<16xf32>
          %swap3A_341 = vector.shape_cast %mul3A_336 : vector<16xf32> to vector<1x16xf32>
          tpu.vector_store %arg6[%swap3A_337, %swap3A_338], %swap3A_341 {strides = array<i32>} : memref<256x64xf32, #tpu.memory_space<vmem>>, vector<1x16xf32>,
          %get3A_342 = arith.index_cast %add3A_307 : i32 to index
          %get3A_343 = arith.constant 48 : index
          %get3A_344 = tpu.vector_load %arg6[%get3A_342, %get3A_343] {strides = array<i32>} : memref<256x64xf32, #tpu.memory_space<vmem>>, vector<1x16xf32>,
          %get3A_345 = vector.shape_cast %get3A_344 : vector<1x16xf32> to vector<16xf32>
          %mul3A_346 = arith.constant 8.000000e+00 : f32
          %mul3A_347 = vector.broadcast %mul3A_346 : f32 to vector<16xf32>
          %mul3A_348 = arith.mulf %get3A_345, %mul3A_347 : vector<16xf32>
          %swap3A_349 = arith.index_cast %add3A_307 : i32 to index
          %swap3A_350 = arith.constant 48 : index
          %swap3A_351 = tpu.vector_load %arg6[%swap3A_349, %swap3A_350] {strides = array<i32>} : memref<256x64xf32, #tpu.memory_space<vmem>>, vector<1x16xf32>,
          %swap3A_352 = vector.shape_cast %swap3A_351 : vector<1x16xf32> to vector<16xf32>
          %swap3A_353 = vector.shape_cast %mul3A_348 : vector<16xf32> to vector<1x16xf32>
          tpu.vector_store %arg6[%swap3A_349, %swap3A_350], %swap3A_353 {strides = array<i32>} : memref<256x64xf32, #tpu.memory_space<vmem>>, vector<1x16xf32>,
        }
        %scan3A_286 = arith.constant 256 : i32
        %mul3A_287 = arith.constant 256 : i32
        %mul3A_288 = arith.muli %add3A_140, %mul3A_287 : i32
        %multiple_of3A_289 = tpu.assume_multiple %mul3A_288, 256 : i32
        %add3A_290 = arith.addi %mul3A_2, %multiple_of3A_289 : i32
        %dma_start3A_291 = arith.constant 0 : i32
        %dma_start3A_292 = tpu.memref_slice %arg4[%add3A_290, %dma_start3A_291] : memref<425984x64xf32, #tpu.memory_space<hbm>> -> memref<256x64xf32, #tpu.memory_space<hbm>>
        %dma_start3A_293 = arith.constant 0 : i32
        %dma_start3A_294 = tpu.memref_slice %arg4[%add3A_290, %dma_start3A_293] : memref<425984x64xf32, #tpu.memory_space<hbm>> -> memref<256x64xf32, #tpu.memory_space<hbm>>
        tpu.enqueue_dma source(%arg6 : memref<256x64xf32, #tpu.memory_space<vmem>>) target(%dma_start3A_294 : memref<256x64xf32, #tpu.memory_space<hbm>>) target_semaphore(%arg18 : memref<!tpu.dma_semaphore, #tpu.memory_space<semaphore_mem>>)
        %add3A_295 = arith.constant 6 : i32
        %add3A_296 = arith.addi %add3A_140, %add3A_295 : i32
        %sub3A = arith.constant 1 : i32
        %sub3A_297 = arith.subi %add3A_296, %sub3A : i32
        %lt3A_298 = arith.constant 52 : i32
        %lt3A_299 = arith.cmpi slt, %sub3A_297, %lt3A_298 : i32
        %convert_element_type3A_300 = arith.extui %lt3A_299 : i1 to i32
        %cond3A_301 = arith.constant 0 : i32
        %cond3A_302 = arith.cmpi ne, %convert_element_type3A_300, %cond3A_301 : i32
        scf.if %cond3A_302 {
          %ge3A = arith.constant 1 : i32
          %ge3A_303 = arith.cmpi sge, %add3A_140, %ge3A : i32
          %convert_element_type3A_304 = arith.extui %ge3A_303 : i1 to i32
          %cond3A_305 = arith.constant 0 : i32
          %cond3A_306 = arith.cmpi ne, %convert_element_type3A_304, %cond3A_305 : i32
          scf.if %cond3A_306 {
            %sub3A_339 = arith.constant 1 : i32
            %sub3A_340 = arith.subi %add3A_140, %sub3A_339 : i32
            %mul3A_341 = arith.constant 256 : i32
            %mul3A_342 = arith.muli %sub3A_340, %mul3A_341 : i32
            %multiple_of3A_343 = tpu.assume_multiple %mul3A_342, 256 : i32
            %add3A_344 = arith.addi %mul3A_2, %multiple_of3A_343 : i32
            %dma_wait3A_345 = arith.constant 0 : i32
            %dma_wait3A_346 = tpu.memref_slice %arg4[%add3A_344, %dma_wait3A_345] : memref<425984x64xf32, #tpu.memory_space<hbm>> -> memref<256x64xf32, #tpu.memory_space<hbm>>
            %dma_wait3A_347 = arith.constant 0 : i32
            %dma_wait3A_348 = tpu.memref_slice %arg4[%add3A_344, %dma_wait3A_347] : memref<425984x64xf32, #tpu.memory_space<hbm>> -> memref<256x64xf32, #tpu.memory_space<hbm>>
            tpu.wait_dma2 semaphore(%arg23 : memref<!tpu.dma_semaphore, #tpu.memory_space<semaphore_mem>>) src(%arg11 : memref<256x64xf32, #tpu.memory_space<vmem>>) dst(%dma_wait3A_348 : memref<256x64xf32, #tpu.memory_space<hbm>>)
          } else {
          }
          %add3A_307 = arith.constant 6 : i32
          %add3A_308 = arith.addi %add3A_140, %add3A_307 : i32
          %sub3A_309 = arith.constant 1 : i32
          %sub3A_310 = arith.subi %add3A_308, %sub3A_309 : i32
          %mul3A_311 = arith.constant 256 : i32
          %mul3A_312 = arith.muli %sub3A_310, %mul3A_311 : i32
          %add3A_313 = arith.constant 0 : i32
          %add3A_314 = arith.addi %mul3A_312, %add3A_313 : i32
          %multiple_of3A_315 = tpu.assume_multiple %add3A_314, 128 : i32
          %dma_start3A_316 = arith.constant 0 : i32
          %dma_start3A_317 = arith.constant 0 : i32
          %dma_start3A_318 = tpu.memref_slice %arg11[%dma_start3A_316, %dma_start3A_317] : memref<256x64xf32, #tpu.memory_space<vmem>> -> memref<128x64xf32, #tpu.memory_space<vmem>>
          %dma_start3A_319 = tpu.memref_slice %arg5[%multiple_of3A_315] : memref<13312xi32, #tpu.memory_space<vmem>> -> memref<128xi32, #tpu.memory_space<vmem>>
          %dma_start3A_320 = arith.constant 0 : i32
          %dma_start3A_321 = arith.constant 0 : i32
          %dma_start3A_322 = tpu.memref_slice %arg3[%dma_start3A_320, %dma_start3A_321] : memref<1000000x64xf32, #tpu.memory_space<hbm>> -> memref<1000000x64xf32, #tpu.memory_space<hbm>>
          tpu.enqueue_indirect_dma source(%dma_start3A_322 : memref<1000000x64xf32, #tpu.memory_space<hbm>>) target(%dma_start3A_318 : memref<128x64xf32, #tpu.memory_space<vmem>>) offsets(%dma_start3A_319 : memref<128xi32, #tpu.memory_space<vmem>>) semaphore(%arg17 : memref<!tpu.dma_semaphore, #tpu.memory_space<semaphore_mem>>)
          %add3A_323 = arith.constant 6 : i32
          %add3A_324 = arith.addi %add3A_140, %add3A_323 : i32
          %sub3A_325 = arith.constant 1 : i32
          %sub3A_326 = arith.subi %add3A_324, %sub3A_325 : i32
          %mul3A_327 = arith.constant 256 : i32
          %mul3A_328 = arith.muli %sub3A_326, %mul3A_327 : i32
          %add3A_329 = arith.constant 128 : i32
          %add3A_330 = arith.addi %mul3A_328, %add3A_329 : i32
          %multiple_of3A_331 = tpu.assume_multiple %add3A_330, 128 : i32
          %dma_start3A_332 = arith.constant 128 : i32
          %dma_start3A_333 = arith.constant 0 : i32
          %dma_start3A_334 = tpu.memref_slice %arg11[%dma_start3A_332, %dma_start3A_333] : memref<256x64xf32, #tpu.memory_space<vmem>> -> memref<128x64xf32, #tpu.memory_space<vmem>>
          %dma_start3A_335 = tpu.memref_slice %arg5[%multiple_of3A_331] : memref<13312xi32, #tpu.memory_space<vmem>> -> memref<128xi32, #tpu.memory_space<vmem>>
          %dma_start3A_336 = arith.constant 0 : i32
          %dma_start3A_337 = arith.constant 0 : i32
          %dma_start3A_338 = tpu.memref_slice %arg3[%dma_start3A_336, %dma_start3A_337] : memref<1000000x64xf32, #tpu.memory_space<hbm>> -> memref<1000000x64xf32, #tpu.memory_space<hbm>>
          tpu.enqueue_indirect_dma source(%dma_start3A_338 : memref<1000000x64xf32, #tpu.memory_space<hbm>>) target(%dma_start3A_334 : memref<128x64xf32, #tpu.memory_space<vmem>>) offsets(%dma_start3A_335 : memref<128xi32, #tpu.memory_space<vmem>>) semaphore(%arg17 : memref<!tpu.dma_semaphore, #tpu.memory_space<semaphore_mem>>)
        } else {
        }
      } else {
      }
      %jit3A_153 = arith.constant 6 : i32
      %eq3A_154 = arith.constant 0 : i32
      %eq3A_155 = arith.cmpi eq, %jit3A_153, %eq3A_154 : i32
      %jit3A_156 = arith.constant 1 : i32
      %select_n3A_157 = arith.select %eq3A_155, %jit3A_156, %jit3A_153 : i32
      %rem3A_158 = arith.remsi %add3A_140, %select_n3A_157 : i32
      %ne3A_159 = arith.constant 0 : i32
      %ne3A_160 = arith.cmpi ne, %rem3A_158, %ne3A_159 : i32
      %lt3A_161 = arith.constant 0 : i32
      %lt3A_162 = arith.cmpi slt, %rem3A_158, %lt3A_161 : i32
      %lt3A_163 = arith.constant 0 : i32
      %lt3A_164 = arith.cmpi slt, %select_n3A_157, %lt3A_163 : i32
      %ne3A_165 = arith.xori %lt3A_162, %lt3A_164 : i1
      %and3A_166 = arith.andi %ne3A_165, %ne3A_160 : i1
      %add3A_167 = arith.addi %rem3A_158, %select_n3A_157 : i32
      %select_n3A_168 = arith.select %and3A_166, %add3A_167, %rem3A_158 : i32
      %eq3A_169 = arith.constant 1 : i32
      %eq3A_170 = arith.cmpi eq, %select_n3A_168, %eq3A_169 : i32
      %convert_element_type3A_171 = arith.extui %eq3A_170 : i1 to i32
      %cond3A_172 = arith.constant 0 : i32
      %cond3A_173 = arith.cmpi ne, %convert_element_type3A_171, %cond3A_172 : i32
      scf.if %cond3A_173 {
        %mul3A_258 = arith.constant 256 : i32
        %mul3A_259 = arith.muli %add3A_140, %mul3A_258 : i32
        %add3A_260 = arith.constant 0 : i32
        %add3A_261 = arith.addi %mul3A_259, %add3A_260 : i32
        %multiple_of3A_262 = tpu.assume_multiple %add3A_261, 128 : i32
        %dma_wait3A_263 = arith.constant 0 : i32
        %dma_wait3A_264 = arith.constant 0 : i32
        %dma_wait3A_265 = tpu.memref_slice %arg7[%dma_wait3A_263, %dma_wait3A_264] : memref<256x64xf32, #tpu.memory_space<vmem>> -> memref<128x64xf32, #tpu.memory_space<vmem>>
        %dma_wait3A_266 = tpu.memref_slice %arg5[%multiple_of3A_262] : memref<13312xi32, #tpu.memory_space<vmem>> -> memref<128xi32, #tpu.memory_space<vmem>>
        %dma_wait3A_267 = arith.constant 0 : i32
        %dma_wait3A_268 = arith.constant 0 : i32
        %dma_wait3A_269 = tpu.memref_slice %arg3[%dma_wait3A_267, %dma_wait3A_268] : memref<1000000x64xf32, #tpu.memory_space<hbm>> -> memref<1000000x64xf32, #tpu.memory_space<hbm>>
        tpu.wait_indirect_dma semaphore(%arg13 : memref<!tpu.dma_semaphore, #tpu.memory_space<semaphore_mem>>) src(%dma_wait3A_269 : memref<1000000x64xf32, #tpu.memory_space<hbm>>) dst(%dma_wait3A_265 : memref<128x64xf32, #tpu.memory_space<vmem>>)
        %mul3A_270 = arith.constant 256 : i32
        %mul3A_271 = arith.muli %add3A_140, %mul3A_270 : i32
        %add3A_272 = arith.constant 128 : i32
        %add3A_273 = arith.addi %mul3A_271, %add3A_272 : i32
        %multiple_of3A_274 = tpu.assume_multiple %add3A_273, 128 : i32
        %dma_wait3A_275 = arith.constant 128 : i32
        %dma_wait3A_276 = arith.constant 0 : i32
        %dma_wait3A_277 = tpu.memref_slice %arg7[%dma_wait3A_275, %dma_wait3A_276] : memref<256x64xf32, #tpu.memory_space<vmem>> -> memref<128x64xf32, #tpu.memory_space<vmem>>
        %dma_wait3A_278 = tpu.memref_slice %arg5[%multiple_of3A_274] : memref<13312xi32, #tpu.memory_space<vmem>> -> memref<128xi32, #tpu.memory_space<vmem>>
        %dma_wait3A_279 = arith.constant 0 : i32
        %dma_wait3A_280 = arith.constant 0 : i32
        %dma_wait3A_281 = tpu.memref_slice %arg3[%dma_wait3A_279, %dma_wait3A_280] : memref<1000000x64xf32, #tpu.memory_space<hbm>> -> memref<1000000x64xf32, #tpu.memory_space<hbm>>
        tpu.wait_indirect_dma semaphore(%arg13 : memref<!tpu.dma_semaphore, #tpu.memory_space<semaphore_mem>>) src(%dma_wait3A_281 : memref<1000000x64xf32, #tpu.memory_space<hbm>>) dst(%dma_wait3A_277 : memref<128x64xf32, #tpu.memory_space<vmem>>)
        %scan3A_282 = arith.constant 0 : i32
        %scan3A_283 = arith.constant 256 : i32
        %scan3A_284 = arith.addi %scan3A_282, %scan3A_283 : i32
        %scan3A_285 = arith.constant 1 : i32
        scf.for %scan3A_303 = %scan3A_282 to %scan3A_284 step %scan3A_285  : i32 {
          %mul3A_304 = arith.constant 1 : i32
          %mul3A_305 = arith.muli %scan3A_303, %mul3A_304 : i32
          %add3A_306 = arith.constant 0 : i32
          %add3A_307 = arith.addi %add3A_306, %mul3A_305 : i32
          %get3A = arith.index_cast %add3A_307 : i32 to index
          %get3A_308 = arith.constant 0 : index
          %get3A_309 = tpu.vector_load %arg7[%get3A, %get3A_308] {strides = array<i32>} : memref<256x64xf32, #tpu.memory_space<vmem>>, vector<1x16xf32>,
          %get3A_310 = vector.shape_cast %get3A_309 : vector<1x16xf32> to vector<16xf32>
          %mul3A_311 = arith.constant 8.000000e+00 : f32
          %mul3A_312 = vector.broadcast %mul3A_311 : f32 to vector<16xf32>
          %mul3A_313 = arith.mulf %get3A_310, %mul3A_312 : vector<16xf32>
          %swap3A = arith.index_cast %add3A_307 : i32 to index
          %swap3A_314 = arith.constant 0 : index
          %swap3A_315 = tpu.vector_load %arg7[%swap3A, %swap3A_314] {strides = array<i32>} : memref<256x64xf32, #tpu.memory_space<vmem>>, vector<1x16xf32>,
          %swap3A_316 = vector.shape_cast %swap3A_315 : vector<1x16xf32> to vector<16xf32>
          %swap3A_317 = vector.shape_cast %mul3A_313 : vector<16xf32> to vector<1x16xf32>
          tpu.vector_store %arg7[%swap3A, %swap3A_314], %swap3A_317 {strides = array<i32>} : memref<256x64xf32, #tpu.memory_space<vmem>>, vector<1x16xf32>,
          %get3A_318 = arith.index_cast %add3A_307 : i32 to index
          %get3A_319 = arith.constant 16 : index
          %get3A_320 = tpu.vector_load %arg7[%get3A_318, %get3A_319] {strides = array<i32>} : memref<256x64xf32, #tpu.memory_space<vmem>>, vector<1x16xf32>,
          %get3A_321 = vector.shape_cast %get3A_320 : vector<1x16xf32> to vector<16xf32>
          %mul3A_322 = arith.constant 8.000000e+00 : f32
          %mul3A_323 = vector.broadcast %mul3A_322 : f32 to vector<16xf32>
          %mul3A_324 = arith.mulf %get3A_321, %mul3A_323 : vector<16xf32>
          %swap3A_325 = arith.index_cast %add3A_307 : i32 to index
          %swap3A_326 = arith.constant 16 : index
          %swap3A_327 = tpu.vector_load %arg7[%swap3A_325, %swap3A_326] {strides = array<i32>} : memref<256x64xf32, #tpu.memory_space<vmem>>, vector<1x16xf32>,
          %swap3A_328 = vector.shape_cast %swap3A_327 : vector<1x16xf32> to vector<16xf32>
          %swap3A_329 = vector.shape_cast %mul3A_324 : vector<16xf32> to vector<1x16xf32>
          tpu.vector_store %arg7[%swap3A_325, %swap3A_326], %swap3A_329 {strides = array<i32>} : memref<256x64xf32, #tpu.memory_space<vmem>>, vector<1x16xf32>,
          %get3A_330 = arith.index_cast %add3A_307 : i32 to index
          %get3A_331 = arith.constant 32 : index
          %get3A_332 = tpu.vector_load %arg7[%get3A_330, %get3A_331] {strides = array<i32>} : memref<256x64xf32, #tpu.memory_space<vmem>>, vector<1x16xf32>,
          %get3A_333 = vector.shape_cast %get3A_332 : vector<1x16xf32> to vector<16xf32>
          %mul3A_334 = arith.constant 8.000000e+00 : f32
          %mul3A_335 = vector.broadcast %mul3A_334 : f32 to vector<16xf32>
          %mul3A_336 = arith.mulf %get3A_333, %mul3A_335 : vector<16xf32>
          %swap3A_337 = arith.index_cast %add3A_307 : i32 to index
          %swap3A_338 = arith.constant 32 : index
          %swap3A_339 = tpu.vector_load %arg7[%swap3A_337, %swap3A_338] {strides = array<i32>} : memref<256x64xf32, #tpu.memory_space<vmem>>, vector<1x16xf32>,
          %swap3A_340 = vector.shape_cast %swap3A_339 : vector<1x16xf32> to vector<16xf32>
          %swap3A_341 = vector.shape_cast %mul3A_336 : vector<16xf32> to vector<1x16xf32>
          tpu.vector_store %arg7[%swap3A_337, %swap3A_338], %swap3A_341 {strides = array<i32>} : memref<256x64xf32, #tpu.memory_space<vmem>>, vector<1x16xf32>,
          %get3A_342 = arith.index_cast %add3A_307 : i32 to index
          %get3A_343 = arith.constant 48 : index
          %get3A_344 = tpu.vector_load %arg7[%get3A_342, %get3A_343] {strides = array<i32>} : memref<256x64xf32, #tpu.memory_space<vmem>>, vector<1x16xf32>,
          %get3A_345 = vector.shape_cast %get3A_344 : vector<1x16xf32> to vector<16xf32>
          %mul3A_346 = arith.constant 8.000000e+00 : f32
          %mul3A_347 = vector.broadcast %mul3A_346 : f32 to vector<16xf32>
          %mul3A_348 = arith.mulf %get3A_345, %mul3A_347 : vector<16xf32>
          %swap3A_349 = arith.index_cast %add3A_307 : i32 to index
          %swap3A_350 = arith.constant 48 : index
          %swap3A_351 = tpu.vector_load %arg7[%swap3A_349, %swap3A_350] {strides = array<i32>} : memref<256x64xf32, #tpu.memory_space<vmem>>, vector<1x16xf32>,
          %swap3A_352 = vector.shape_cast %swap3A_351 : vector<1x16xf32> to vector<16xf32>
          %swap3A_353 = vector.shape_cast %mul3A_348 : vector<16xf32> to vector<1x16xf32>
          tpu.vector_store %arg7[%swap3A_349, %swap3A_350], %swap3A_353 {strides = array<i32>} : memref<256x64xf32, #tpu.memory_space<vmem>>, vector<1x16xf32>,
        }
        %scan3A_286 = arith.constant 256 : i32
        %mul3A_287 = arith.constant 256 : i32
        %mul3A_288 = arith.muli %add3A_140, %mul3A_287 : i32
        %multiple_of3A_289 = tpu.assume_multiple %mul3A_288, 256 : i32
        %add3A_290 = arith.addi %mul3A_2, %multiple_of3A_289 : i32
        %dma_start3A_291 = arith.constant 0 : i32
        %dma_start3A_292 = tpu.memref_slice %arg4[%add3A_290, %dma_start3A_291] : memref<425984x64xf32, #tpu.memory_space<hbm>> -> memref<256x64xf32, #tpu.memory_space<hbm>>
        %dma_start3A_293 = arith.constant 0 : i32
        %dma_start3A_294 = tpu.memref_slice %arg4[%add3A_290, %dma_start3A_293] : memref<425984x64xf32, #tpu.memory_space<hbm>> -> memref<256x64xf32, #tpu.memory_space<hbm>>
        tpu.enqueue_dma source(%arg7 : memref<256x64xf32, #tpu.memory_space<vmem>>) target(%dma_start3A_294 : memref<256x64xf32, #tpu.memory_space<hbm>>) target_semaphore(%arg19 : memref<!tpu.dma_semaphore, #tpu.memory_space<semaphore_mem>>)
        %add3A_295 = arith.constant 6 : i32
        %add3A_296 = arith.addi %add3A_140, %add3A_295 : i32
        %sub3A = arith.constant 1 : i32
        %sub3A_297 = arith.subi %add3A_296, %sub3A : i32
        %lt3A_298 = arith.constant 52 : i32
        %lt3A_299 = arith.cmpi slt, %sub3A_297, %lt3A_298 : i32
        %convert_element_type3A_300 = arith.extui %lt3A_299 : i1 to i32
        %cond3A_301 = arith.constant 0 : i32
        %cond3A_302 = arith.cmpi ne, %convert_element_type3A_300, %cond3A_301 : i32
        scf.if %cond3A_302 {
          %ge3A = arith.constant 1 : i32
          %ge3A_303 = arith.cmpi sge, %add3A_140, %ge3A : i32
          %convert_element_type3A_304 = arith.extui %ge3A_303 : i1 to i32
          %cond3A_305 = arith.constant 0 : i32
          %cond3A_306 = arith.cmpi ne, %convert_element_type3A_304, %cond3A_305 : i32
          scf.if %cond3A_306 {
            %sub3A_339 = arith.constant 1 : i32
            %sub3A_340 = arith.subi %add3A_140, %sub3A_339 : i32
            %mul3A_341 = arith.constant 256 : i32
            %mul3A_342 = arith.muli %sub3A_340, %mul3A_341 : i32
            %multiple_of3A_343 = tpu.assume_multiple %mul3A_342, 256 : i32
            %add3A_344 = arith.addi %mul3A_2, %multiple_of3A_343 : i32
            %dma_wait3A_345 = arith.constant 0 : i32
            %dma_wait3A_346 = tpu.memref_slice %arg4[%add3A_344, %dma_wait3A_345] : memref<425984x64xf32, #tpu.memory_space<hbm>> -> memref<256x64xf32, #tpu.memory_space<hbm>>
            %dma_wait3A_347 = arith.constant 0 : i32
            %dma_wait3A_348 = tpu.memref_slice %arg4[%add3A_344, %dma_wait3A_347] : memref<425984x64xf32, #tpu.memory_space<hbm>> -> memref<256x64xf32, #tpu.memory_space<hbm>>
            tpu.wait_dma2 semaphore(%arg18 : memref<!tpu.dma_semaphore, #tpu.memory_space<semaphore_mem>>) src(%arg6 : memref<256x64xf32, #tpu.memory_space<vmem>>) dst(%dma_wait3A_348 : memref<256x64xf32, #tpu.memory_space<hbm>>)
          } else {
          }
          %add3A_307 = arith.constant 6 : i32
          %add3A_308 = arith.addi %add3A_140, %add3A_307 : i32
          %sub3A_309 = arith.constant 1 : i32
          %sub3A_310 = arith.subi %add3A_308, %sub3A_309 : i32
          %mul3A_311 = arith.constant 256 : i32
          %mul3A_312 = arith.muli %sub3A_310, %mul3A_311 : i32
          %add3A_313 = arith.constant 0 : i32
          %add3A_314 = arith.addi %mul3A_312, %add3A_313 : i32
          %multiple_of3A_315 = tpu.assume_multiple %add3A_314, 128 : i32
          %dma_start3A_316 = arith.constant 0 : i32
          %dma_start3A_317 = arith.constant 0 : i32
          %dma_start3A_318 = tpu.memref_slice %arg6[%dma_start3A_316, %dma_start3A_317] : memref<256x64xf32, #tpu.memory_space<vmem>> -> memref<128x64xf32, #tpu.memory_space<vmem>>
          %dma_start3A_319 = tpu.memref_slice %arg5[%multiple_of3A_315] : memref<13312xi32, #tpu.memory_space<vmem>> -> memref<128xi32, #tpu.memory_space<vmem>>
          %dma_start3A_320 = arith.constant 0 : i32
          %dma_start3A_321 = arith.constant 0 : i32
          %dma_start3A_322 = tpu.memref_slice %arg3[%dma_start3A_320, %dma_start3A_321] : memref<1000000x64xf32, #tpu.memory_space<hbm>> -> memref<1000000x64xf32, #tpu.memory_space<hbm>>
          tpu.enqueue_indirect_dma source(%dma_start3A_322 : memref<1000000x64xf32, #tpu.memory_space<hbm>>) target(%dma_start3A_318 : memref<128x64xf32, #tpu.memory_space<vmem>>) offsets(%dma_start3A_319 : memref<128xi32, #tpu.memory_space<vmem>>) semaphore(%arg12 : memref<!tpu.dma_semaphore, #tpu.memory_space<semaphore_mem>>)
          %add3A_323 = arith.constant 6 : i32
          %add3A_324 = arith.addi %add3A_140, %add3A_323 : i32
          %sub3A_325 = arith.constant 1 : i32
          %sub3A_326 = arith.subi %add3A_324, %sub3A_325 : i32
          %mul3A_327 = arith.constant 256 : i32
          %mul3A_328 = arith.muli %sub3A_326, %mul3A_327 : i32
          %add3A_329 = arith.constant 128 : i32
          %add3A_330 = arith.addi %mul3A_328, %add3A_329 : i32
          %multiple_of3A_331 = tpu.assume_multiple %add3A_330, 128 : i32
          %dma_start3A_332 = arith.constant 128 : i32
          %dma_start3A_333 = arith.constant 0 : i32
          %dma_start3A_334 = tpu.memref_slice %arg6[%dma_start3A_332, %dma_start3A_333] : memref<256x64xf32, #tpu.memory_space<vmem>> -> memref<128x64xf32, #tpu.memory_space<vmem>>
          %dma_start3A_335 = tpu.memref_slice %arg5[%multiple_of3A_331] : memref<13312xi32, #tpu.memory_space<vmem>> -> memref<128xi32, #tpu.memory_space<vmem>>
          %dma_start3A_336 = arith.constant 0 : i32
          %dma_start3A_337 = arith.constant 0 : i32
          %dma_start3A_338 = tpu.memref_slice %arg3[%dma_start3A_336, %dma_start3A_337] : memref<1000000x64xf32, #tpu.memory_space<hbm>> -> memref<1000000x64xf32, #tpu.memory_space<hbm>>
          tpu.enqueue_indirect_dma source(%dma_start3A_338 : memref<1000000x64xf32, #tpu.memory_space<hbm>>) target(%dma_start3A_334 : memref<128x64xf32, #tpu.memory_space<vmem>>) offsets(%dma_start3A_335 : memref<128xi32, #tpu.memory_space<vmem>>) semaphore(%arg12 : memref<!tpu.dma_semaphore, #tpu.memory_space<semaphore_mem>>)
        } else {
        }
      } else {
      }
      %jit3A_174 = arith.constant 6 : i32
      %eq3A_175 = arith.constant 0 : i32
      %eq3A_176 = arith.cmpi eq, %jit3A_174, %eq3A_175 : i32
      %jit3A_177 = arith.constant 1 : i32
      %select_n3A_178 = arith.select %eq3A_176, %jit3A_177, %jit3A_174 : i32
      %rem3A_179 = arith.remsi %add3A_140, %select_n3A_178 : i32
      %ne3A_180 = arith.constant 0 : i32
      %ne3A_181 = arith.cmpi ne, %rem3A_179, %ne3A_180 : i32
      %lt3A_182 = arith.constant 0 : i32
      %lt3A_183 = arith.cmpi slt, %rem3A_179, %lt3A_182 : i32
      %lt3A_184 = arith.constant 0 : i32
      %lt3A_185 = arith.cmpi slt, %select_n3A_178, %lt3A_184 : i32
      %ne3A_186 = arith.xori %lt3A_183, %lt3A_185 : i1
      %and3A_187 = arith.andi %ne3A_186, %ne3A_181 : i1
      %add3A_188 = arith.addi %rem3A_179, %select_n3A_178 : i32
      %select_n3A_189 = arith.select %and3A_187, %add3A_188, %rem3A_179 : i32
      %eq3A_190 = arith.constant 2 : i32
      %eq3A_191 = arith.cmpi eq, %select_n3A_189, %eq3A_190 : i32
      %convert_element_type3A_192 = arith.extui %eq3A_191 : i1 to i32
      %cond3A_193 = arith.constant 0 : i32
      %cond3A_194 = arith.cmpi ne, %convert_element_type3A_192, %cond3A_193 : i32
      scf.if %cond3A_194 {
        %mul3A_258 = arith.constant 256 : i32
        %mul3A_259 = arith.muli %add3A_140, %mul3A_258 : i32
        %add3A_260 = arith.constant 0 : i32
        %add3A_261 = arith.addi %mul3A_259, %add3A_260 : i32
        %multiple_of3A_262 = tpu.assume_multiple %add3A_261, 128 : i32
        %dma_wait3A_263 = arith.constant 0 : i32
        %dma_wait3A_264 = arith.constant 0 : i32
        %dma_wait3A_265 = tpu.memref_slice %arg8[%dma_wait3A_263, %dma_wait3A_264] : memref<256x64xf32, #tpu.memory_space<vmem>> -> memref<128x64xf32, #tpu.memory_space<vmem>>
        %dma_wait3A_266 = tpu.memref_slice %arg5[%multiple_of3A_262] : memref<13312xi32, #tpu.memory_space<vmem>> -> memref<128xi32, #tpu.memory_space<vmem>>
        %dma_wait3A_267 = arith.constant 0 : i32
        %dma_wait3A_268 = arith.constant 0 : i32
        %dma_wait3A_269 = tpu.memref_slice %arg3[%dma_wait3A_267, %dma_wait3A_268] : memref<1000000x64xf32, #tpu.memory_space<hbm>> -> memref<1000000x64xf32, #tpu.memory_space<hbm>>
        tpu.wait_indirect_dma semaphore(%arg14 : memref<!tpu.dma_semaphore, #tpu.memory_space<semaphore_mem>>) src(%dma_wait3A_269 : memref<1000000x64xf32, #tpu.memory_space<hbm>>) dst(%dma_wait3A_265 : memref<128x64xf32, #tpu.memory_space<vmem>>)
        %mul3A_270 = arith.constant 256 : i32
        %mul3A_271 = arith.muli %add3A_140, %mul3A_270 : i32
        %add3A_272 = arith.constant 128 : i32
        %add3A_273 = arith.addi %mul3A_271, %add3A_272 : i32
        %multiple_of3A_274 = tpu.assume_multiple %add3A_273, 128 : i32
        %dma_wait3A_275 = arith.constant 128 : i32
        %dma_wait3A_276 = arith.constant 0 : i32
        %dma_wait3A_277 = tpu.memref_slice %arg8[%dma_wait3A_275, %dma_wait3A_276] : memref<256x64xf32, #tpu.memory_space<vmem>> -> memref<128x64xf32, #tpu.memory_space<vmem>>
        %dma_wait3A_278 = tpu.memref_slice %arg5[%multiple_of3A_274] : memref<13312xi32, #tpu.memory_space<vmem>> -> memref<128xi32, #tpu.memory_space<vmem>>
        %dma_wait3A_279 = arith.constant 0 : i32
        %dma_wait3A_280 = arith.constant 0 : i32
        %dma_wait3A_281 = tpu.memref_slice %arg3[%dma_wait3A_279, %dma_wait3A_280] : memref<1000000x64xf32, #tpu.memory_space<hbm>> -> memref<1000000x64xf32, #tpu.memory_space<hbm>>
        tpu.wait_indirect_dma semaphore(%arg14 : memref<!tpu.dma_semaphore, #tpu.memory_space<semaphore_mem>>) src(%dma_wait3A_281 : memref<1000000x64xf32, #tpu.memory_space<hbm>>) dst(%dma_wait3A_277 : memref<128x64xf32, #tpu.memory_space<vmem>>)
        %scan3A_282 = arith.constant 0 : i32
        %scan3A_283 = arith.constant 256 : i32
        %scan3A_284 = arith.addi %scan3A_282, %scan3A_283 : i32
        %scan3A_285 = arith.constant 1 : i32
        scf.for %scan3A_303 = %scan3A_282 to %scan3A_284 step %scan3A_285  : i32 {
          %mul3A_304 = arith.constant 1 : i32
          %mul3A_305 = arith.muli %scan3A_303, %mul3A_304 : i32
          %add3A_306 = arith.constant 0 : i32
          %add3A_307 = arith.addi %add3A_306, %mul3A_305 : i32
          %get3A = arith.index_cast %add3A_307 : i32 to index
          %get3A_308 = arith.constant 0 : index
          %get3A_309 = tpu.vector_load %arg8[%get3A, %get3A_308] {strides = array<i32>} : memref<256x64xf32, #tpu.memory_space<vmem>>, vector<1x16xf32>,
          %get3A_310 = vector.shape_cast %get3A_309 : vector<1x16xf32> to vector<16xf32>
          %mul3A_311 = arith.constant 8.000000e+00 : f32
          %mul3A_312 = vector.broadcast %mul3A_311 : f32 to vector<16xf32>
          %mul3A_313 = arith.mulf %get3A_310, %mul3A_312 : vector<16xf32>
          %swap3A = arith.index_cast %add3A_307 : i32 to index
          %swap3A_314 = arith.constant 0 : index
          %swap3A_315 = tpu.vector_load %arg8[%swap3A, %swap3A_314] {strides = array<i32>} : memref<256x64xf32, #tpu.memory_space<vmem>>, vector<1x16xf32>,
          %swap3A_316 = vector.shape_cast %swap3A_315 : vector<1x16xf32> to vector<16xf32>
          %swap3A_317 = vector.shape_cast %mul3A_313 : vector<16xf32> to vector<1x16xf32>
          tpu.vector_store %arg8[%swap3A, %swap3A_314], %swap3A_317 {strides = array<i32>} : memref<256x64xf32, #tpu.memory_space<vmem>>, vector<1x16xf32>,
          %get3A_318 = arith.index_cast %add3A_307 : i32 to index
          %get3A_319 = arith.constant 16 : index
          %get3A_320 = tpu.vector_load %arg8[%get3A_318, %get3A_319] {strides = array<i32>} : memref<256x64xf32, #tpu.memory_space<vmem>>, vector<1x16xf32>,
          %get3A_321 = vector.shape_cast %get3A_320 : vector<1x16xf32> to vector<16xf32>
          %mul3A_322 = arith.constant 8.000000e+00 : f32
          %mul3A_323 = vector.broadcast %mul3A_322 : f32 to vector<16xf32>
          %mul3A_324 = arith.mulf %get3A_321, %mul3A_323 : vector<16xf32>
          %swap3A_325 = arith.index_cast %add3A_307 : i32 to index
          %swap3A_326 = arith.constant 16 : index
          %swap3A_327 = tpu.vector_load %arg8[%swap3A_325, %swap3A_326] {strides = array<i32>} : memref<256x64xf32, #tpu.memory_space<vmem>>, vector<1x16xf32>,
          %swap3A_328 = vector.shape_cast %swap3A_327 : vector<1x16xf32> to vector<16xf32>
          %swap3A_329 = vector.shape_cast %mul3A_324 : vector<16xf32> to vector<1x16xf32>
          tpu.vector_store %arg8[%swap3A_325, %swap3A_326], %swap3A_329 {strides = array<i32>} : memref<256x64xf32, #tpu.memory_space<vmem>>, vector<1x16xf32>,
          %get3A_330 = arith.index_cast %add3A_307 : i32 to index
          %get3A_331 = arith.constant 32 : index
          %get3A_332 = tpu.vector_load %arg8[%get3A_330, %get3A_331] {strides = array<i32>} : memref<256x64xf32, #tpu.memory_space<vmem>>, vector<1x16xf32>,
          %get3A_333 = vector.shape_cast %get3A_332 : vector<1x16xf32> to vector<16xf32>
          %mul3A_334 = arith.constant 8.000000e+00 : f32
          %mul3A_335 = vector.broadcast %mul3A_334 : f32 to vector<16xf32>
          %mul3A_336 = arith.mulf %get3A_333, %mul3A_335 : vector<16xf32>
          %swap3A_337 = arith.index_cast %add3A_307 : i32 to index
          %swap3A_338 = arith.constant 32 : index
          %swap3A_339 = tpu.vector_load %arg8[%swap3A_337, %swap3A_338] {strides = array<i32>} : memref<256x64xf32, #tpu.memory_space<vmem>>, vector<1x16xf32>,
          %swap3A_340 = vector.shape_cast %swap3A_339 : vector<1x16xf32> to vector<16xf32>
          %swap3A_341 = vector.shape_cast %mul3A_336 : vector<16xf32> to vector<1x16xf32>
          tpu.vector_store %arg8[%swap3A_337, %swap3A_338], %swap3A_341 {strides = array<i32>} : memref<256x64xf32, #tpu.memory_space<vmem>>, vector<1x16xf32>,
          %get3A_342 = arith.index_cast %add3A_307 : i32 to index
          %get3A_343 = arith.constant 48 : index
          %get3A_344 = tpu.vector_load %arg8[%get3A_342, %get3A_343] {strides = array<i32>} : memref<256x64xf32, #tpu.memory_space<vmem>>, vector<1x16xf32>,
          %get3A_345 = vector.shape_cast %get3A_344 : vector<1x16xf32> to vector<16xf32>
          %mul3A_346 = arith.constant 8.000000e+00 : f32
          %mul3A_347 = vector.broadcast %mul3A_346 : f32 to vector<16xf32>
          %mul3A_348 = arith.mulf %get3A_345, %mul3A_347 : vector<16xf32>
          %swap3A_349 = arith.index_cast %add3A_307 : i32 to index
          %swap3A_350 = arith.constant 48 : index
          %swap3A_351 = tpu.vector_load %arg8[%swap3A_349, %swap3A_350] {strides = array<i32>} : memref<256x64xf32, #tpu.memory_space<vmem>>, vector<1x16xf32>,
          %swap3A_352 = vector.shape_cast %swap3A_351 : vector<1x16xf32> to vector<16xf32>
          %swap3A_353 = vector.shape_cast %mul3A_348 : vector<16xf32> to vector<1x16xf32>
          tpu.vector_store %arg8[%swap3A_349, %swap3A_350], %swap3A_353 {strides = array<i32>} : memref<256x64xf32, #tpu.memory_space<vmem>>, vector<1x16xf32>,
        }
        %scan3A_286 = arith.constant 256 : i32
        %mul3A_287 = arith.constant 256 : i32
        %mul3A_288 = arith.muli %add3A_140, %mul3A_287 : i32
        %multiple_of3A_289 = tpu.assume_multiple %mul3A_288, 256 : i32
        %add3A_290 = arith.addi %mul3A_2, %multiple_of3A_289 : i32
        %dma_start3A_291 = arith.constant 0 : i32
        %dma_start3A_292 = tpu.memref_slice %arg4[%add3A_290, %dma_start3A_291] : memref<425984x64xf32, #tpu.memory_space<hbm>> -> memref<256x64xf32, #tpu.memory_space<hbm>>
        %dma_start3A_293 = arith.constant 0 : i32
        %dma_start3A_294 = tpu.memref_slice %arg4[%add3A_290, %dma_start3A_293] : memref<425984x64xf32, #tpu.memory_space<hbm>> -> memref<256x64xf32, #tpu.memory_space<hbm>>
        tpu.enqueue_dma source(%arg8 : memref<256x64xf32, #tpu.memory_space<vmem>>) target(%dma_start3A_294 : memref<256x64xf32, #tpu.memory_space<hbm>>) target_semaphore(%arg20 : memref<!tpu.dma_semaphore, #tpu.memory_space<semaphore_mem>>)
        %add3A_295 = arith.constant 6 : i32
        %add3A_296 = arith.addi %add3A_140, %add3A_295 : i32
        %sub3A = arith.constant 1 : i32
        %sub3A_297 = arith.subi %add3A_296, %sub3A : i32
        %lt3A_298 = arith.constant 52 : i32
        %lt3A_299 = arith.cmpi slt, %sub3A_297, %lt3A_298 : i32
        %convert_element_type3A_300 = arith.extui %lt3A_299 : i1 to i32
        %cond3A_301 = arith.constant 0 : i32
        %cond3A_302 = arith.cmpi ne, %convert_element_type3A_300, %cond3A_301 : i32
        scf.if %cond3A_302 {
          %ge3A = arith.constant 1 : i32
          %ge3A_303 = arith.cmpi sge, %add3A_140, %ge3A : i32
          %convert_element_type3A_304 = arith.extui %ge3A_303 : i1 to i32
          %cond3A_305 = arith.constant 0 : i32
          %cond3A_306 = arith.cmpi ne, %convert_element_type3A_304, %cond3A_305 : i32
          scf.if %cond3A_306 {
            %sub3A_339 = arith.constant 1 : i32
            %sub3A_340 = arith.subi %add3A_140, %sub3A_339 : i32
            %mul3A_341 = arith.constant 256 : i32
            %mul3A_342 = arith.muli %sub3A_340, %mul3A_341 : i32
            %multiple_of3A_343 = tpu.assume_multiple %mul3A_342, 256 : i32
            %add3A_344 = arith.addi %mul3A_2, %multiple_of3A_343 : i32
            %dma_wait3A_345 = arith.constant 0 : i32
            %dma_wait3A_346 = tpu.memref_slice %arg4[%add3A_344, %dma_wait3A_345] : memref<425984x64xf32, #tpu.memory_space<hbm>> -> memref<256x64xf32, #tpu.memory_space<hbm>>
            %dma_wait3A_347 = arith.constant 0 : i32
            %dma_wait3A_348 = tpu.memref_slice %arg4[%add3A_344, %dma_wait3A_347] : memref<425984x64xf32, #tpu.memory_space<hbm>> -> memref<256x64xf32, #tpu.memory_space<hbm>>
            tpu.wait_dma2 semaphore(%arg19 : memref<!tpu.dma_semaphore, #tpu.memory_space<semaphore_mem>>) src(%arg7 : memref<256x64xf32, #tpu.memory_space<vmem>>) dst(%dma_wait3A_348 : memref<256x64xf32, #tpu.memory_space<hbm>>)
          } else {
          }
          %add3A_307 = arith.constant 6 : i32
          %add3A_308 = arith.addi %add3A_140, %add3A_307 : i32
          %sub3A_309 = arith.constant 1 : i32
          %sub3A_310 = arith.subi %add3A_308, %sub3A_309 : i32
          %mul3A_311 = arith.constant 256 : i32
          %mul3A_312 = arith.muli %sub3A_310, %mul3A_311 : i32
          %add3A_313 = arith.constant 0 : i32
          %add3A_314 = arith.addi %mul3A_312, %add3A_313 : i32
          %multiple_of3A_315 = tpu.assume_multiple %add3A_314, 128 : i32
          %dma_start3A_316 = arith.constant 0 : i32
          %dma_start3A_317 = arith.constant 0 : i32
          %dma_start3A_318 = tpu.memref_slice %arg7[%dma_start3A_316, %dma_start3A_317] : memref<256x64xf32, #tpu.memory_space<vmem>> -> memref<128x64xf32, #tpu.memory_space<vmem>>
          %dma_start3A_319 = tpu.memref_slice %arg5[%multiple_of3A_315] : memref<13312xi32, #tpu.memory_space<vmem>> -> memref<128xi32, #tpu.memory_space<vmem>>
          %dma_start3A_320 = arith.constant 0 : i32
          %dma_start3A_321 = arith.constant 0 : i32
          %dma_start3A_322 = tpu.memref_slice %arg3[%dma_start3A_320, %dma_start3A_321] : memref<1000000x64xf32, #tpu.memory_space<hbm>> -> memref<1000000x64xf32, #tpu.memory_space<hbm>>
          tpu.enqueue_indirect_dma source(%dma_start3A_322 : memref<1000000x64xf32, #tpu.memory_space<hbm>>) target(%dma_start3A_318 : memref<128x64xf32, #tpu.memory_space<vmem>>) offsets(%dma_start3A_319 : memref<128xi32, #tpu.memory_space<vmem>>) semaphore(%arg13 : memref<!tpu.dma_semaphore, #tpu.memory_space<semaphore_mem>>)
          %add3A_323 = arith.constant 6 : i32
          %add3A_324 = arith.addi %add3A_140, %add3A_323 : i32
          %sub3A_325 = arith.constant 1 : i32
          %sub3A_326 = arith.subi %add3A_324, %sub3A_325 : i32
          %mul3A_327 = arith.constant 256 : i32
          %mul3A_328 = arith.muli %sub3A_326, %mul3A_327 : i32
          %add3A_329 = arith.constant 128 : i32
          %add3A_330 = arith.addi %mul3A_328, %add3A_329 : i32
          %multiple_of3A_331 = tpu.assume_multiple %add3A_330, 128 : i32
          %dma_start3A_332 = arith.constant 128 : i32
          %dma_start3A_333 = arith.constant 0 : i32
          %dma_start3A_334 = tpu.memref_slice %arg7[%dma_start3A_332, %dma_start3A_333] : memref<256x64xf32, #tpu.memory_space<vmem>> -> memref<128x64xf32, #tpu.memory_space<vmem>>
          %dma_start3A_335 = tpu.memref_slice %arg5[%multiple_of3A_331] : memref<13312xi32, #tpu.memory_space<vmem>> -> memref<128xi32, #tpu.memory_space<vmem>>
          %dma_start3A_336 = arith.constant 0 : i32
          %dma_start3A_337 = arith.constant 0 : i32
          %dma_start3A_338 = tpu.memref_slice %arg3[%dma_start3A_336, %dma_start3A_337] : memref<1000000x64xf32, #tpu.memory_space<hbm>> -> memref<1000000x64xf32, #tpu.memory_space<hbm>>
          tpu.enqueue_indirect_dma source(%dma_start3A_338 : memref<1000000x64xf32, #tpu.memory_space<hbm>>) target(%dma_start3A_334 : memref<128x64xf32, #tpu.memory_space<vmem>>) offsets(%dma_start3A_335 : memref<128xi32, #tpu.memory_space<vmem>>) semaphore(%arg13 : memref<!tpu.dma_semaphore, #tpu.memory_space<semaphore_mem>>)
        } else {
        }
      } else {
      }
      %jit3A_195 = arith.constant 6 : i32
      %eq3A_196 = arith.constant 0 : i32
      %eq3A_197 = arith.cmpi eq, %jit3A_195, %eq3A_196 : i32
      %jit3A_198 = arith.constant 1 : i32
      %select_n3A_199 = arith.select %eq3A_197, %jit3A_198, %jit3A_195 : i32
      %rem3A_200 = arith.remsi %add3A_140, %select_n3A_199 : i32
      %ne3A_201 = arith.constant 0 : i32
      %ne3A_202 = arith.cmpi ne, %rem3A_200, %ne3A_201 : i32
      %lt3A_203 = arith.constant 0 : i32
      %lt3A_204 = arith.cmpi slt, %rem3A_200, %lt3A_203 : i32
      %lt3A_205 = arith.constant 0 : i32
      %lt3A_206 = arith.cmpi slt, %select_n3A_199, %lt3A_205 : i32
      %ne3A_207 = arith.xori %lt3A_204, %lt3A_206 : i1
      %and3A_208 = arith.andi %ne3A_207, %ne3A_202 : i1
      %add3A_209 = arith.addi %rem3A_200, %select_n3A_199 : i32
      %select_n3A_210 = arith.select %and3A_208, %add3A_209, %rem3A_200 : i32
      %eq3A_211 = arith.constant 3 : i32
      %eq3A_212 = arith.cmpi eq, %select_n3A_210, %eq3A_211 : i32
      %convert_element_type3A_213 = arith.extui %eq3A_212 : i1 to i32
      %cond3A_214 = arith.constant 0 : i32
      %cond3A_215 = arith.cmpi ne, %convert_element_type3A_213, %cond3A_214 : i32
      scf.if %cond3A_215 {
        %mul3A_258 = arith.constant 256 : i32
        %mul3A_259 = arith.muli %add3A_140, %mul3A_258 : i32
        %add3A_260 = arith.constant 0 : i32
        %add3A_261 = arith.addi %mul3A_259, %add3A_260 : i32
        %multiple_of3A_262 = tpu.assume_multiple %add3A_261, 128 : i32
        %dma_wait3A_263 = arith.constant 0 : i32
        %dma_wait3A_264 = arith.constant 0 : i32
        %dma_wait3A_265 = tpu.memref_slice %arg9[%dma_wait3A_263, %dma_wait3A_264] : memref<256x64xf32, #tpu.memory_space<vmem>> -> memref<128x64xf32, #tpu.memory_space<vmem>>
        %dma_wait3A_266 = tpu.memref_slice %arg5[%multiple_of3A_262] : memref<13312xi32, #tpu.memory_space<vmem>> -> memref<128xi32, #tpu.memory_space<vmem>>
        %dma_wait3A_267 = arith.constant 0 : i32
        %dma_wait3A_268 = arith.constant 0 : i32
        %dma_wait3A_269 = tpu.memref_slice %arg3[%dma_wait3A_267, %dma_wait3A_268] : memref<1000000x64xf32, #tpu.memory_space<hbm>> -> memref<1000000x64xf32, #tpu.memory_space<hbm>>
        tpu.wait_indirect_dma semaphore(%arg15 : memref<!tpu.dma_semaphore, #tpu.memory_space<semaphore_mem>>) src(%dma_wait3A_269 : memref<1000000x64xf32, #tpu.memory_space<hbm>>) dst(%dma_wait3A_265 : memref<128x64xf32, #tpu.memory_space<vmem>>)
        %mul3A_270 = arith.constant 256 : i32
        %mul3A_271 = arith.muli %add3A_140, %mul3A_270 : i32
        %add3A_272 = arith.constant 128 : i32
        %add3A_273 = arith.addi %mul3A_271, %add3A_272 : i32
        %multiple_of3A_274 = tpu.assume_multiple %add3A_273, 128 : i32
        %dma_wait3A_275 = arith.constant 128 : i32
        %dma_wait3A_276 = arith.constant 0 : i32
        %dma_wait3A_277 = tpu.memref_slice %arg9[%dma_wait3A_275, %dma_wait3A_276] : memref<256x64xf32, #tpu.memory_space<vmem>> -> memref<128x64xf32, #tpu.memory_space<vmem>>
        %dma_wait3A_278 = tpu.memref_slice %arg5[%multiple_of3A_274] : memref<13312xi32, #tpu.memory_space<vmem>> -> memref<128xi32, #tpu.memory_space<vmem>>
        %dma_wait3A_279 = arith.constant 0 : i32
        %dma_wait3A_280 = arith.constant 0 : i32
        %dma_wait3A_281 = tpu.memref_slice %arg3[%dma_wait3A_279, %dma_wait3A_280] : memref<1000000x64xf32, #tpu.memory_space<hbm>> -> memref<1000000x64xf32, #tpu.memory_space<hbm>>
        tpu.wait_indirect_dma semaphore(%arg15 : memref<!tpu.dma_semaphore, #tpu.memory_space<semaphore_mem>>) src(%dma_wait3A_281 : memref<1000000x64xf32, #tpu.memory_space<hbm>>) dst(%dma_wait3A_277 : memref<128x64xf32, #tpu.memory_space<vmem>>)
        %scan3A_282 = arith.constant 0 : i32
        %scan3A_283 = arith.constant 256 : i32
        %scan3A_284 = arith.addi %scan3A_282, %scan3A_283 : i32
        %scan3A_285 = arith.constant 1 : i32
        scf.for %scan3A_303 = %scan3A_282 to %scan3A_284 step %scan3A_285  : i32 {
          %mul3A_304 = arith.constant 1 : i32
          %mul3A_305 = arith.muli %scan3A_303, %mul3A_304 : i32
          %add3A_306 = arith.constant 0 : i32
          %add3A_307 = arith.addi %add3A_306, %mul3A_305 : i32
          %get3A = arith.index_cast %add3A_307 : i32 to index
          %get3A_308 = arith.constant 0 : index
          %get3A_309 = tpu.vector_load %arg9[%get3A, %get3A_308] {strides = array<i32>} : memref<256x64xf32, #tpu.memory_space<vmem>>, vector<1x16xf32>,
          %get3A_310 = vector.shape_cast %get3A_309 : vector<1x16xf32> to vector<16xf32>
          %mul3A_311 = arith.constant 8.000000e+00 : f32
          %mul3A_312 = vector.broadcast %mul3A_311 : f32 to vector<16xf32>
          %mul3A_313 = arith.mulf %get3A_310, %mul3A_312 : vector<16xf32>
          %swap3A = arith.index_cast %add3A_307 : i32 to index
          %swap3A_314 = arith.constant 0 : index
          %swap3A_315 = tpu.vector_load %arg9[%swap3A, %swap3A_314] {strides = array<i32>} : memref<256x64xf32, #tpu.memory_space<vmem>>, vector<1x16xf32>,
          %swap3A_316 = vector.shape_cast %swap3A_315 : vector<1x16xf32> to vector<16xf32>
          %swap3A_317 = vector.shape_cast %mul3A_313 : vector<16xf32> to vector<1x16xf32>
          tpu.vector_store %arg9[%swap3A, %swap3A_314], %swap3A_317 {strides = array<i32>} : memref<256x64xf32, #tpu.memory_space<vmem>>, vector<1x16xf32>,
          %get3A_318 = arith.index_cast %add3A_307 : i32 to index
          %get3A_319 = arith.constant 16 : index
          %get3A_320 = tpu.vector_load %arg9[%get3A_318, %get3A_319] {strides = array<i32>} : memref<256x64xf32, #tpu.memory_space<vmem>>, vector<1x16xf32>,
          %get3A_321 = vector.shape_cast %get3A_320 : vector<1x16xf32> to vector<16xf32>
          %mul3A_322 = arith.constant 8.000000e+00 : f32
          %mul3A_323 = vector.broadcast %mul3A_322 : f32 to vector<16xf32>
          %mul3A_324 = arith.mulf %get3A_321, %mul3A_323 : vector<16xf32>
          %swap3A_325 = arith.index_cast %add3A_307 : i32 to index
          %swap3A_326 = arith.constant 16 : index
          %swap3A_327 = tpu.vector_load %arg9[%swap3A_325, %swap3A_326] {strides = array<i32>} : memref<256x64xf32, #tpu.memory_space<vmem>>, vector<1x16xf32>,
          %swap3A_328 = vector.shape_cast %swap3A_327 : vector<1x16xf32> to vector<16xf32>
          %swap3A_329 = vector.shape_cast %mul3A_324 : vector<16xf32> to vector<1x16xf32>
          tpu.vector_store %arg9[%swap3A_325, %swap3A_326], %swap3A_329 {strides = array<i32>} : memref<256x64xf32, #tpu.memory_space<vmem>>, vector<1x16xf32>,
          %get3A_330 = arith.index_cast %add3A_307 : i32 to index
          %get3A_331 = arith.constant 32 : index
          %get3A_332 = tpu.vector_load %arg9[%get3A_330, %get3A_331] {strides = array<i32>} : memref<256x64xf32, #tpu.memory_space<vmem>>, vector<1x16xf32>,
          %get3A_333 = vector.shape_cast %get3A_332 : vector<1x16xf32> to vector<16xf32>
          %mul3A_334 = arith.constant 8.000000e+00 : f32
          %mul3A_335 = vector.broadcast %mul3A_334 : f32 to vector<16xf32>
          %mul3A_336 = arith.mulf %get3A_333, %mul3A_335 : vector<16xf32>
          %swap3A_337 = arith.index_cast %add3A_307 : i32 to index
          %swap3A_338 = arith.constant 32 : index
          %swap3A_339 = tpu.vector_load %arg9[%swap3A_337, %swap3A_338] {strides = array<i32>} : memref<256x64xf32, #tpu.memory_space<vmem>>, vector<1x16xf32>,
          %swap3A_340 = vector.shape_cast %swap3A_339 : vector<1x16xf32> to vector<16xf32>
          %swap3A_341 = vector.shape_cast %mul3A_336 : vector<16xf32> to vector<1x16xf32>
          tpu.vector_store %arg9[%swap3A_337, %swap3A_338], %swap3A_341 {strides = array<i32>} : memref<256x64xf32, #tpu.memory_space<vmem>>, vector<1x16xf32>,
          %get3A_342 = arith.index_cast %add3A_307 : i32 to index
          %get3A_343 = arith.constant 48 : index
          %get3A_344 = tpu.vector_load %arg9[%get3A_342, %get3A_343] {strides = array<i32>} : memref<256x64xf32, #tpu.memory_space<vmem>>, vector<1x16xf32>,
          %get3A_345 = vector.shape_cast %get3A_344 : vector<1x16xf32> to vector<16xf32>
          %mul3A_346 = arith.constant 8.000000e+00 : f32
          %mul3A_347 = vector.broadcast %mul3A_346 : f32 to vector<16xf32>
          %mul3A_348 = arith.mulf %get3A_345, %mul3A_347 : vector<16xf32>
          %swap3A_349 = arith.index_cast %add3A_307 : i32 to index
          %swap3A_350 = arith.constant 48 : index
          %swap3A_351 = tpu.vector_load %arg9[%swap3A_349, %swap3A_350] {strides = array<i32>} : memref<256x64xf32, #tpu.memory_space<vmem>>, vector<1x16xf32>,
          %swap3A_352 = vector.shape_cast %swap3A_351 : vector<1x16xf32> to vector<16xf32>
          %swap3A_353 = vector.shape_cast %mul3A_348 : vector<16xf32> to vector<1x16xf32>
          tpu.vector_store %arg9[%swap3A_349, %swap3A_350], %swap3A_353 {strides = array<i32>} : memref<256x64xf32, #tpu.memory_space<vmem>>, vector<1x16xf32>,
        }
        %scan3A_286 = arith.constant 256 : i32
        %mul3A_287 = arith.constant 256 : i32
        %mul3A_288 = arith.muli %add3A_140, %mul3A_287 : i32
        %multiple_of3A_289 = tpu.assume_multiple %mul3A_288, 256 : i32
        %add3A_290 = arith.addi %mul3A_2, %multiple_of3A_289 : i32
        %dma_start3A_291 = arith.constant 0 : i32
        %dma_start3A_292 = tpu.memref_slice %arg4[%add3A_290, %dma_start3A_291] : memref<425984x64xf32, #tpu.memory_space<hbm>> -> memref<256x64xf32, #tpu.memory_space<hbm>>
        %dma_start3A_293 = arith.constant 0 : i32
        %dma_start3A_294 = tpu.memref_slice %arg4[%add3A_290, %dma_start3A_293] : memref<425984x64xf32, #tpu.memory_space<hbm>> -> memref<256x64xf32, #tpu.memory_space<hbm>>
        tpu.enqueue_dma source(%arg9 : memref<256x64xf32, #tpu.memory_space<vmem>>) target(%dma_start3A_294 : memref<256x64xf32, #tpu.memory_space<hbm>>) target_semaphore(%arg21 : memref<!tpu.dma_semaphore, #tpu.memory_space<semaphore_mem>>)
        %add3A_295 = arith.constant 6 : i32
        %add3A_296 = arith.addi %add3A_140, %add3A_295 : i32
        %sub3A = arith.constant 1 : i32
        %sub3A_297 = arith.subi %add3A_296, %sub3A : i32
        %lt3A_298 = arith.constant 52 : i32
        %lt3A_299 = arith.cmpi slt, %sub3A_297, %lt3A_298 : i32
        %convert_element_type3A_300 = arith.extui %lt3A_299 : i1 to i32
        %cond3A_301 = arith.constant 0 : i32
        %cond3A_302 = arith.cmpi ne, %convert_element_type3A_300, %cond3A_301 : i32
        scf.if %cond3A_302 {
          %ge3A = arith.constant 1 : i32
          %ge3A_303 = arith.cmpi sge, %add3A_140, %ge3A : i32
          %convert_element_type3A_304 = arith.extui %ge3A_303 : i1 to i32
          %cond3A_305 = arith.constant 0 : i32
          %cond3A_306 = arith.cmpi ne, %convert_element_type3A_304, %cond3A_305 : i32
          scf.if %cond3A_306 {
            %sub3A_339 = arith.constant 1 : i32
            %sub3A_340 = arith.subi %add3A_140, %sub3A_339 : i32
            %mul3A_341 = arith.constant 256 : i32
            %mul3A_342 = arith.muli %sub3A_340, %mul3A_341 : i32
            %multiple_of3A_343 = tpu.assume_multiple %mul3A_342, 256 : i32
            %add3A_344 = arith.addi %mul3A_2, %multiple_of3A_343 : i32
            %dma_wait3A_345 = arith.constant 0 : i32
            %dma_wait3A_346 = tpu.memref_slice %arg4[%add3A_344, %dma_wait3A_345] : memref<425984x64xf32, #tpu.memory_space<hbm>> -> memref<256x64xf32, #tpu.memory_space<hbm>>
            %dma_wait3A_347 = arith.constant 0 : i32
            %dma_wait3A_348 = tpu.memref_slice %arg4[%add3A_344, %dma_wait3A_347] : memref<425984x64xf32, #tpu.memory_space<hbm>> -> memref<256x64xf32, #tpu.memory_space<hbm>>
            tpu.wait_dma2 semaphore(%arg20 : memref<!tpu.dma_semaphore, #tpu.memory_space<semaphore_mem>>) src(%arg8 : memref<256x64xf32, #tpu.memory_space<vmem>>) dst(%dma_wait3A_348 : memref<256x64xf32, #tpu.memory_space<hbm>>)
          } else {
          }
          %add3A_307 = arith.constant 6 : i32
          %add3A_308 = arith.addi %add3A_140, %add3A_307 : i32
          %sub3A_309 = arith.constant 1 : i32
          %sub3A_310 = arith.subi %add3A_308, %sub3A_309 : i32
          %mul3A_311 = arith.constant 256 : i32
          %mul3A_312 = arith.muli %sub3A_310, %mul3A_311 : i32
          %add3A_313 = arith.constant 0 : i32
          %add3A_314 = arith.addi %mul3A_312, %add3A_313 : i32
          %multiple_of3A_315 = tpu.assume_multiple %add3A_314, 128 : i32
          %dma_start3A_316 = arith.constant 0 : i32
          %dma_start3A_317 = arith.constant 0 : i32
          %dma_start3A_318 = tpu.memref_slice %arg8[%dma_start3A_316, %dma_start3A_317] : memref<256x64xf32, #tpu.memory_space<vmem>> -> memref<128x64xf32, #tpu.memory_space<vmem>>
          %dma_start3A_319 = tpu.memref_slice %arg5[%multiple_of3A_315] : memref<13312xi32, #tpu.memory_space<vmem>> -> memref<128xi32, #tpu.memory_space<vmem>>
          %dma_start3A_320 = arith.constant 0 : i32
          %dma_start3A_321 = arith.constant 0 : i32
          %dma_start3A_322 = tpu.memref_slice %arg3[%dma_start3A_320, %dma_start3A_321] : memref<1000000x64xf32, #tpu.memory_space<hbm>> -> memref<1000000x64xf32, #tpu.memory_space<hbm>>
          tpu.enqueue_indirect_dma source(%dma_start3A_322 : memref<1000000x64xf32, #tpu.memory_space<hbm>>) target(%dma_start3A_318 : memref<128x64xf32, #tpu.memory_space<vmem>>) offsets(%dma_start3A_319 : memref<128xi32, #tpu.memory_space<vmem>>) semaphore(%arg14 : memref<!tpu.dma_semaphore, #tpu.memory_space<semaphore_mem>>)
          %add3A_323 = arith.constant 6 : i32
          %add3A_324 = arith.addi %add3A_140, %add3A_323 : i32
          %sub3A_325 = arith.constant 1 : i32
          %sub3A_326 = arith.subi %add3A_324, %sub3A_325 : i32
          %mul3A_327 = arith.constant 256 : i32
          %mul3A_328 = arith.muli %sub3A_326, %mul3A_327 : i32
          %add3A_329 = arith.constant 128 : i32
          %add3A_330 = arith.addi %mul3A_328, %add3A_329 : i32
          %multiple_of3A_331 = tpu.assume_multiple %add3A_330, 128 : i32
          %dma_start3A_332 = arith.constant 128 : i32
          %dma_start3A_333 = arith.constant 0 : i32
          %dma_start3A_334 = tpu.memref_slice %arg8[%dma_start3A_332, %dma_start3A_333] : memref<256x64xf32, #tpu.memory_space<vmem>> -> memref<128x64xf32, #tpu.memory_space<vmem>>
          %dma_start3A_335 = tpu.memref_slice %arg5[%multiple_of3A_331] : memref<13312xi32, #tpu.memory_space<vmem>> -> memref<128xi32, #tpu.memory_space<vmem>>
          %dma_start3A_336 = arith.constant 0 : i32
          %dma_start3A_337 = arith.constant 0 : i32
          %dma_start3A_338 = tpu.memref_slice %arg3[%dma_start3A_336, %dma_start3A_337] : memref<1000000x64xf32, #tpu.memory_space<hbm>> -> memref<1000000x64xf32, #tpu.memory_space<hbm>>
          tpu.enqueue_indirect_dma source(%dma_start3A_338 : memref<1000000x64xf32, #tpu.memory_space<hbm>>) target(%dma_start3A_334 : memref<128x64xf32, #tpu.memory_space<vmem>>) offsets(%dma_start3A_335 : memref<128xi32, #tpu.memory_space<vmem>>) semaphore(%arg14 : memref<!tpu.dma_semaphore, #tpu.memory_space<semaphore_mem>>)
        } else {
        }
      } else {
      }
      %jit3A_216 = arith.constant 6 : i32
      %eq3A_217 = arith.constant 0 : i32
      %eq3A_218 = arith.cmpi eq, %jit3A_216, %eq3A_217 : i32
      %jit3A_219 = arith.constant 1 : i32
      %select_n3A_220 = arith.select %eq3A_218, %jit3A_219, %jit3A_216 : i32
      %rem3A_221 = arith.remsi %add3A_140, %select_n3A_220 : i32
      %ne3A_222 = arith.constant 0 : i32
      %ne3A_223 = arith.cmpi ne, %rem3A_221, %ne3A_222 : i32
      %lt3A_224 = arith.constant 0 : i32
      %lt3A_225 = arith.cmpi slt, %rem3A_221, %lt3A_224 : i32
      %lt3A_226 = arith.constant 0 : i32
      %lt3A_227 = arith.cmpi slt, %select_n3A_220, %lt3A_226 : i32
      %ne3A_228 = arith.xori %lt3A_225, %lt3A_227 : i1
      %and3A_229 = arith.andi %ne3A_228, %ne3A_223 : i1
      %add3A_230 = arith.addi %rem3A_221, %select_n3A_220 : i32
      %select_n3A_231 = arith.select %and3A_229, %add3A_230, %rem3A_221 : i32
      %eq3A_232 = arith.constant 4 : i32
      %eq3A_233 = arith.cmpi eq, %select_n3A_231, %eq3A_232 : i32
      %convert_element_type3A_234 = arith.extui %eq3A_233 : i1 to i32
      %cond3A_235 = arith.constant 0 : i32
      %cond3A_236 = arith.cmpi ne, %convert_element_type3A_234, %cond3A_235 : i32
      scf.if %cond3A_236 {
        %mul3A_258 = arith.constant 256 : i32
        %mul3A_259 = arith.muli %add3A_140, %mul3A_258 : i32
        %add3A_260 = arith.constant 0 : i32
        %add3A_261 = arith.addi %mul3A_259, %add3A_260 : i32
        %multiple_of3A_262 = tpu.assume_multiple %add3A_261, 128 : i32
        %dma_wait3A_263 = arith.constant 0 : i32
        %dma_wait3A_264 = arith.constant 0 : i32
        %dma_wait3A_265 = tpu.memref_slice %arg10[%dma_wait3A_263, %dma_wait3A_264] : memref<256x64xf32, #tpu.memory_space<vmem>> -> memref<128x64xf32, #tpu.memory_space<vmem>>
        %dma_wait3A_266 = tpu.memref_slice %arg5[%multiple_of3A_262] : memref<13312xi32, #tpu.memory_space<vmem>> -> memref<128xi32, #tpu.memory_space<vmem>>
        %dma_wait3A_267 = arith.constant 0 : i32
        %dma_wait3A_268 = arith.constant 0 : i32
        %dma_wait3A_269 = tpu.memref_slice %arg3[%dma_wait3A_267, %dma_wait3A_268] : memref<1000000x64xf32, #tpu.memory_space<hbm>> -> memref<1000000x64xf32, #tpu.memory_space<hbm>>
        tpu.wait_indirect_dma semaphore(%arg16 : memref<!tpu.dma_semaphore, #tpu.memory_space<semaphore_mem>>) src(%dma_wait3A_269 : memref<1000000x64xf32, #tpu.memory_space<hbm>>) dst(%dma_wait3A_265 : memref<128x64xf32, #tpu.memory_space<vmem>>)
        %mul3A_270 = arith.constant 256 : i32
        %mul3A_271 = arith.muli %add3A_140, %mul3A_270 : i32
        %add3A_272 = arith.constant 128 : i32
        %add3A_273 = arith.addi %mul3A_271, %add3A_272 : i32
        %multiple_of3A_274 = tpu.assume_multiple %add3A_273, 128 : i32
        %dma_wait3A_275 = arith.constant 128 : i32
        %dma_wait3A_276 = arith.constant 0 : i32
        %dma_wait3A_277 = tpu.memref_slice %arg10[%dma_wait3A_275, %dma_wait3A_276] : memref<256x64xf32, #tpu.memory_space<vmem>> -> memref<128x64xf32, #tpu.memory_space<vmem>>
        %dma_wait3A_278 = tpu.memref_slice %arg5[%multiple_of3A_274] : memref<13312xi32, #tpu.memory_space<vmem>> -> memref<128xi32, #tpu.memory_space<vmem>>
        %dma_wait3A_279 = arith.constant 0 : i32
        %dma_wait3A_280 = arith.constant 0 : i32
        %dma_wait3A_281 = tpu.memref_slice %arg3[%dma_wait3A_279, %dma_wait3A_280] : memref<1000000x64xf32, #tpu.memory_space<hbm>> -> memref<1000000x64xf32, #tpu.memory_space<hbm>>
        tpu.wait_indirect_dma semaphore(%arg16 : memref<!tpu.dma_semaphore, #tpu.memory_space<semaphore_mem>>) src(%dma_wait3A_281 : memref<1000000x64xf32, #tpu.memory_space<hbm>>) dst(%dma_wait3A_277 : memref<128x64xf32, #tpu.memory_space<vmem>>)
        %scan3A_282 = arith.constant 0 : i32
        %scan3A_283 = arith.constant 256 : i32
        %scan3A_284 = arith.addi %scan3A_282, %scan3A_283 : i32
        %scan3A_285 = arith.constant 1 : i32
        scf.for %scan3A_303 = %scan3A_282 to %scan3A_284 step %scan3A_285  : i32 {
          %mul3A_304 = arith.constant 1 : i32
          %mul3A_305 = arith.muli %scan3A_303, %mul3A_304 : i32
          %add3A_306 = arith.constant 0 : i32
          %add3A_307 = arith.addi %add3A_306, %mul3A_305 : i32
          %get3A = arith.index_cast %add3A_307 : i32 to index
          %get3A_308 = arith.constant 0 : index
          %get3A_309 = tpu.vector_load %arg10[%get3A, %get3A_308] {strides = array<i32>} : memref<256x64xf32, #tpu.memory_space<vmem>>, vector<1x16xf32>,
          %get3A_310 = vector.shape_cast %get3A_309 : vector<1x16xf32> to vector<16xf32>
          %mul3A_311 = arith.constant 8.000000e+00 : f32
          %mul3A_312 = vector.broadcast %mul3A_311 : f32 to vector<16xf32>
          %mul3A_313 = arith.mulf %get3A_310, %mul3A_312 : vector<16xf32>
          %swap3A = arith.index_cast %add3A_307 : i32 to index
          %swap3A_314 = arith.constant 0 : index
          %swap3A_315 = tpu.vector_load %arg10[%swap3A, %swap3A_314] {strides = array<i32>} : memref<256x64xf32, #tpu.memory_space<vmem>>, vector<1x16xf32>,
          %swap3A_316 = vector.shape_cast %swap3A_315 : vector<1x16xf32> to vector<16xf32>
          %swap3A_317 = vector.shape_cast %mul3A_313 : vector<16xf32> to vector<1x16xf32>
          tpu.vector_store %arg10[%swap3A, %swap3A_314], %swap3A_317 {strides = array<i32>} : memref<256x64xf32, #tpu.memory_space<vmem>>, vector<1x16xf32>,
          %get3A_318 = arith.index_cast %add3A_307 : i32 to index
          %get3A_319 = arith.constant 16 : index
          %get3A_320 = tpu.vector_load %arg10[%get3A_318, %get3A_319] {strides = array<i32>} : memref<256x64xf32, #tpu.memory_space<vmem>>, vector<1x16xf32>,
          %get3A_321 = vector.shape_cast %get3A_320 : vector<1x16xf32> to vector<16xf32>
          %mul3A_322 = arith.constant 8.000000e+00 : f32
          %mul3A_323 = vector.broadcast %mul3A_322 : f32 to vector<16xf32>
          %mul3A_324 = arith.mulf %get3A_321, %mul3A_323 : vector<16xf32>
          %swap3A_325 = arith.index_cast %add3A_307 : i32 to index
          %swap3A_326 = arith.constant 16 : index
          %swap3A_327 = tpu.vector_load %arg10[%swap3A_325, %swap3A_326] {strides = array<i32>} : memref<256x64xf32, #tpu.memory_space<vmem>>, vector<1x16xf32>,
          %swap3A_328 = vector.shape_cast %swap3A_327 : vector<1x16xf32> to vector<16xf32>
          %swap3A_329 = vector.shape_cast %mul3A_324 : vector<16xf32> to vector<1x16xf32>
          tpu.vector_store %arg10[%swap3A_325, %swap3A_326], %swap3A_329 {strides = array<i32>} : memref<256x64xf32, #tpu.memory_space<vmem>>, vector<1x16xf32>,
          %get3A_330 = arith.index_cast %add3A_307 : i32 to index
          %get3A_331 = arith.constant 32 : index
          %get3A_332 = tpu.vector_load %arg10[%get3A_330, %get3A_331] {strides = array<i32>} : memref<256x64xf32, #tpu.memory_space<vmem>>, vector<1x16xf32>,
          %get3A_333 = vector.shape_cast %get3A_332 : vector<1x16xf32> to vector<16xf32>
          %mul3A_334 = arith.constant 8.000000e+00 : f32
          %mul3A_335 = vector.broadcast %mul3A_334 : f32 to vector<16xf32>
          %mul3A_336 = arith.mulf %get3A_333, %mul3A_335 : vector<16xf32>
          %swap3A_337 = arith.index_cast %add3A_307 : i32 to index
          %swap3A_338 = arith.constant 32 : index
          %swap3A_339 = tpu.vector_load %arg10[%swap3A_337, %swap3A_338] {strides = array<i32>} : memref<256x64xf32, #tpu.memory_space<vmem>>, vector<1x16xf32>,
          %swap3A_340 = vector.shape_cast %swap3A_339 : vector<1x16xf32> to vector<16xf32>
          %swap3A_341 = vector.shape_cast %mul3A_336 : vector<16xf32> to vector<1x16xf32>
          tpu.vector_store %arg10[%swap3A_337, %swap3A_338], %swap3A_341 {strides = array<i32>} : memref<256x64xf32, #tpu.memory_space<vmem>>, vector<1x16xf32>,
          %get3A_342 = arith.index_cast %add3A_307 : i32 to index
          %get3A_343 = arith.constant 48 : index
          %get3A_344 = tpu.vector_load %arg10[%get3A_342, %get3A_343] {strides = array<i32>} : memref<256x64xf32, #tpu.memory_space<vmem>>, vector<1x16xf32>,
          %get3A_345 = vector.shape_cast %get3A_344 : vector<1x16xf32> to vector<16xf32>
          %mul3A_346 = arith.constant 8.000000e+00 : f32
          %mul3A_347 = vector.broadcast %mul3A_346 : f32 to vector<16xf32>
          %mul3A_348 = arith.mulf %get3A_345, %mul3A_347 : vector<16xf32>
          %swap3A_349 = arith.index_cast %add3A_307 : i32 to index
          %swap3A_350 = arith.constant 48 : index
          %swap3A_351 = tpu.vector_load %arg10[%swap3A_349, %swap3A_350] {strides = array<i32>} : memref<256x64xf32, #tpu.memory_space<vmem>>, vector<1x16xf32>,
          %swap3A_352 = vector.shape_cast %swap3A_351 : vector<1x16xf32> to vector<16xf32>
          %swap3A_353 = vector.shape_cast %mul3A_348 : vector<16xf32> to vector<1x16xf32>
          tpu.vector_store %arg10[%swap3A_349, %swap3A_350], %swap3A_353 {strides = array<i32>} : memref<256x64xf32, #tpu.memory_space<vmem>>, vector<1x16xf32>,
        }
        %scan3A_286 = arith.constant 256 : i32
        %mul3A_287 = arith.constant 256 : i32
        %mul3A_288 = arith.muli %add3A_140, %mul3A_287 : i32
        %multiple_of3A_289 = tpu.assume_multiple %mul3A_288, 256 : i32
        %add3A_290 = arith.addi %mul3A_2, %multiple_of3A_289 : i32
        %dma_start3A_291 = arith.constant 0 : i32
        %dma_start3A_292 = tpu.memref_slice %arg4[%add3A_290, %dma_start3A_291] : memref<425984x64xf32, #tpu.memory_space<hbm>> -> memref<256x64xf32, #tpu.memory_space<hbm>>
        %dma_start3A_293 = arith.constant 0 : i32
        %dma_start3A_294 = tpu.memref_slice %arg4[%add3A_290, %dma_start3A_293] : memref<425984x64xf32, #tpu.memory_space<hbm>> -> memref<256x64xf32, #tpu.memory_space<hbm>>
        tpu.enqueue_dma source(%arg10 : memref<256x64xf32, #tpu.memory_space<vmem>>) target(%dma_start3A_294 : memref<256x64xf32, #tpu.memory_space<hbm>>) target_semaphore(%arg22 : memref<!tpu.dma_semaphore, #tpu.memory_space<semaphore_mem>>)
        %add3A_295 = arith.constant 6 : i32
        %add3A_296 = arith.addi %add3A_140, %add3A_295 : i32
        %sub3A = arith.constant 1 : i32
        %sub3A_297 = arith.subi %add3A_296, %sub3A : i32
        %lt3A_298 = arith.constant 52 : i32
        %lt3A_299 = arith.cmpi slt, %sub3A_297, %lt3A_298 : i32
        %convert_element_type3A_300 = arith.extui %lt3A_299 : i1 to i32
        %cond3A_301 = arith.constant 0 : i32
        %cond3A_302 = arith.cmpi ne, %convert_element_type3A_300, %cond3A_301 : i32
        scf.if %cond3A_302 {
          %ge3A = arith.constant 1 : i32
          %ge3A_303 = arith.cmpi sge, %add3A_140, %ge3A : i32
          %convert_element_type3A_304 = arith.extui %ge3A_303 : i1 to i32
          %cond3A_305 = arith.constant 0 : i32
          %cond3A_306 = arith.cmpi ne, %convert_element_type3A_304, %cond3A_305 : i32
          scf.if %cond3A_306 {
            %sub3A_339 = arith.constant 1 : i32
            %sub3A_340 = arith.subi %add3A_140, %sub3A_339 : i32
            %mul3A_341 = arith.constant 256 : i32
            %mul3A_342 = arith.muli %sub3A_340, %mul3A_341 : i32
            %multiple_of3A_343 = tpu.assume_multiple %mul3A_342, 256 : i32
            %add3A_344 = arith.addi %mul3A_2, %multiple_of3A_343 : i32
            %dma_wait3A_345 = arith.constant 0 : i32
            %dma_wait3A_346 = tpu.memref_slice %arg4[%add3A_344, %dma_wait3A_345] : memref<425984x64xf32, #tpu.memory_space<hbm>> -> memref<256x64xf32, #tpu.memory_space<hbm>>
            %dma_wait3A_347 = arith.constant 0 : i32
            %dma_wait3A_348 = tpu.memref_slice %arg4[%add3A_344, %dma_wait3A_347] : memref<425984x64xf32, #tpu.memory_space<hbm>> -> memref<256x64xf32, #tpu.memory_space<hbm>>
            tpu.wait_dma2 semaphore(%arg21 : memref<!tpu.dma_semaphore, #tpu.memory_space<semaphore_mem>>) src(%arg9 : memref<256x64xf32, #tpu.memory_space<vmem>>) dst(%dma_wait3A_348 : memref<256x64xf32, #tpu.memory_space<hbm>>)
          } else {
          }
          %add3A_307 = arith.constant 6 : i32
          %add3A_308 = arith.addi %add3A_140, %add3A_307 : i32
          %sub3A_309 = arith.constant 1 : i32
          %sub3A_310 = arith.subi %add3A_308, %sub3A_309 : i32
          %mul3A_311 = arith.constant 256 : i32
          %mul3A_312 = arith.muli %sub3A_310, %mul3A_311 : i32
          %add3A_313 = arith.constant 0 : i32
          %add3A_314 = arith.addi %mul3A_312, %add3A_313 : i32
          %multiple_of3A_315 = tpu.assume_multiple %add3A_314, 128 : i32
          %dma_start3A_316 = arith.constant 0 : i32
          %dma_start3A_317 = arith.constant 0 : i32
          %dma_start3A_318 = tpu.memref_slice %arg9[%dma_start3A_316, %dma_start3A_317] : memref<256x64xf32, #tpu.memory_space<vmem>> -> memref<128x64xf32, #tpu.memory_space<vmem>>
          %dma_start3A_319 = tpu.memref_slice %arg5[%multiple_of3A_315] : memref<13312xi32, #tpu.memory_space<vmem>> -> memref<128xi32, #tpu.memory_space<vmem>>
          %dma_start3A_320 = arith.constant 0 : i32
          %dma_start3A_321 = arith.constant 0 : i32
          %dma_start3A_322 = tpu.memref_slice %arg3[%dma_start3A_320, %dma_start3A_321] : memref<1000000x64xf32, #tpu.memory_space<hbm>> -> memref<1000000x64xf32, #tpu.memory_space<hbm>>
          tpu.enqueue_indirect_dma source(%dma_start3A_322 : memref<1000000x64xf32, #tpu.memory_space<hbm>>) target(%dma_start3A_318 : memref<128x64xf32, #tpu.memory_space<vmem>>) offsets(%dma_start3A_319 : memref<128xi32, #tpu.memory_space<vmem>>) semaphore(%arg15 : memref<!tpu.dma_semaphore, #tpu.memory_space<semaphore_mem>>)
          %add3A_323 = arith.constant 6 : i32
          %add3A_324 = arith.addi %add3A_140, %add3A_323 : i32
          %sub3A_325 = arith.constant 1 : i32
          %sub3A_326 = arith.subi %add3A_324, %sub3A_325 : i32
          %mul3A_327 = arith.constant 256 : i32
          %mul3A_328 = arith.muli %sub3A_326, %mul3A_327 : i32
          %add3A_329 = arith.constant 128 : i32
          %add3A_330 = arith.addi %mul3A_328, %add3A_329 : i32
          %multiple_of3A_331 = tpu.assume_multiple %add3A_330, 128 : i32
          %dma_start3A_332 = arith.constant 128 : i32
          %dma_start3A_333 = arith.constant 0 : i32
          %dma_start3A_334 = tpu.memref_slice %arg9[%dma_start3A_332, %dma_start3A_333] : memref<256x64xf32, #tpu.memory_space<vmem>> -> memref<128x64xf32, #tpu.memory_space<vmem>>
          %dma_start3A_335 = tpu.memref_slice %arg5[%multiple_of3A_331] : memref<13312xi32, #tpu.memory_space<vmem>> -> memref<128xi32, #tpu.memory_space<vmem>>
          %dma_start3A_336 = arith.constant 0 : i32
          %dma_start3A_337 = arith.constant 0 : i32
          %dma_start3A_338 = tpu.memref_slice %arg3[%dma_start3A_336, %dma_start3A_337] : memref<1000000x64xf32, #tpu.memory_space<hbm>> -> memref<1000000x64xf32, #tpu.memory_space<hbm>>
          tpu.enqueue_indirect_dma source(%dma_start3A_338 : memref<1000000x64xf32, #tpu.memory_space<hbm>>) target(%dma_start3A_334 : memref<128x64xf32, #tpu.memory_space<vmem>>) offsets(%dma_start3A_335 : memref<128xi32, #tpu.memory_space<vmem>>) semaphore(%arg15 : memref<!tpu.dma_semaphore, #tpu.memory_space<semaphore_mem>>)
        } else {
        }
      } else {
      }
      %jit3A_237 = arith.constant 6 : i32
      %eq3A_238 = arith.constant 0 : i32
      %eq3A_239 = arith.cmpi eq, %jit3A_237, %eq3A_238 : i32
      %jit3A_240 = arith.constant 1 : i32
      %select_n3A_241 = arith.select %eq3A_239, %jit3A_240, %jit3A_237 : i32
      %rem3A_242 = arith.remsi %add3A_140, %select_n3A_241 : i32
      %ne3A_243 = arith.constant 0 : i32
      %ne3A_244 = arith.cmpi ne, %rem3A_242, %ne3A_243 : i32
      %lt3A_245 = arith.constant 0 : i32
      %lt3A_246 = arith.cmpi slt, %rem3A_242, %lt3A_245 : i32
      %lt3A_247 = arith.constant 0 : i32
      %lt3A_248 = arith.cmpi slt, %select_n3A_241, %lt3A_247 : i32
      %ne3A_249 = arith.xori %lt3A_246, %lt3A_248 : i1
      %and3A_250 = arith.andi %ne3A_249, %ne3A_244 : i1
      %add3A_251 = arith.addi %rem3A_242, %select_n3A_241 : i32
      %select_n3A_252 = arith.select %and3A_250, %add3A_251, %rem3A_242 : i32
      %eq3A_253 = arith.constant 5 : i32
      %eq3A_254 = arith.cmpi eq, %select_n3A_252, %eq3A_253 : i32
      %convert_element_type3A_255 = arith.extui %eq3A_254 : i1 to i32
      %cond3A_256 = arith.constant 0 : i32
      %cond3A_257 = arith.cmpi ne, %convert_element_type3A_255, %cond3A_256 : i32
      scf.if %cond3A_257 {
        %mul3A_258 = arith.constant 256 : i32
        %mul3A_259 = arith.muli %add3A_140, %mul3A_258 : i32
        %add3A_260 = arith.constant 0 : i32
        %add3A_261 = arith.addi %mul3A_259, %add3A_260 : i32
        %multiple_of3A_262 = tpu.assume_multiple %add3A_261, 128 : i32
        %dma_wait3A_263 = arith.constant 0 : i32
        %dma_wait3A_264 = arith.constant 0 : i32
        %dma_wait3A_265 = tpu.memref_slice %arg11[%dma_wait3A_263, %dma_wait3A_264] : memref<256x64xf32, #tpu.memory_space<vmem>> -> memref<128x64xf32, #tpu.memory_space<vmem>>
        %dma_wait3A_266 = tpu.memref_slice %arg5[%multiple_of3A_262] : memref<13312xi32, #tpu.memory_space<vmem>> -> memref<128xi32, #tpu.memory_space<vmem>>
        %dma_wait3A_267 = arith.constant 0 : i32
        %dma_wait3A_268 = arith.constant 0 : i32
        %dma_wait3A_269 = tpu.memref_slice %arg3[%dma_wait3A_267, %dma_wait3A_268] : memref<1000000x64xf32, #tpu.memory_space<hbm>> -> memref<1000000x64xf32, #tpu.memory_space<hbm>>
        tpu.wait_indirect_dma semaphore(%arg17 : memref<!tpu.dma_semaphore, #tpu.memory_space<semaphore_mem>>) src(%dma_wait3A_269 : memref<1000000x64xf32, #tpu.memory_space<hbm>>) dst(%dma_wait3A_265 : memref<128x64xf32, #tpu.memory_space<vmem>>)
        %mul3A_270 = arith.constant 256 : i32
        %mul3A_271 = arith.muli %add3A_140, %mul3A_270 : i32
        %add3A_272 = arith.constant 128 : i32
        %add3A_273 = arith.addi %mul3A_271, %add3A_272 : i32
        %multiple_of3A_274 = tpu.assume_multiple %add3A_273, 128 : i32
        %dma_wait3A_275 = arith.constant 128 : i32
        %dma_wait3A_276 = arith.constant 0 : i32
        %dma_wait3A_277 = tpu.memref_slice %arg11[%dma_wait3A_275, %dma_wait3A_276] : memref<256x64xf32, #tpu.memory_space<vmem>> -> memref<128x64xf32, #tpu.memory_space<vmem>>
        %dma_wait3A_278 = tpu.memref_slice %arg5[%multiple_of3A_274] : memref<13312xi32, #tpu.memory_space<vmem>> -> memref<128xi32, #tpu.memory_space<vmem>>
        %dma_wait3A_279 = arith.constant 0 : i32
        %dma_wait3A_280 = arith.constant 0 : i32
        %dma_wait3A_281 = tpu.memref_slice %arg3[%dma_wait3A_279, %dma_wait3A_280] : memref<1000000x64xf32, #tpu.memory_space<hbm>> -> memref<1000000x64xf32, #tpu.memory_space<hbm>>
        tpu.wait_indirect_dma semaphore(%arg17 : memref<!tpu.dma_semaphore, #tpu.memory_space<semaphore_mem>>) src(%dma_wait3A_281 : memref<1000000x64xf32, #tpu.memory_space<hbm>>) dst(%dma_wait3A_277 : memref<128x64xf32, #tpu.memory_space<vmem>>)
        %scan3A_282 = arith.constant 0 : i32
        %scan3A_283 = arith.constant 256 : i32
        %scan3A_284 = arith.addi %scan3A_282, %scan3A_283 : i32
        %scan3A_285 = arith.constant 1 : i32
        scf.for %scan3A_303 = %scan3A_282 to %scan3A_284 step %scan3A_285  : i32 {
          %mul3A_304 = arith.constant 1 : i32
          %mul3A_305 = arith.muli %scan3A_303, %mul3A_304 : i32
          %add3A_306 = arith.constant 0 : i32
          %add3A_307 = arith.addi %add3A_306, %mul3A_305 : i32
          %get3A = arith.index_cast %add3A_307 : i32 to index
          %get3A_308 = arith.constant 0 : index
          %get3A_309 = tpu.vector_load %arg11[%get3A, %get3A_308] {strides = array<i32>} : memref<256x64xf32, #tpu.memory_space<vmem>>, vector<1x16xf32>,
          %get3A_310 = vector.shape_cast %get3A_309 : vector<1x16xf32> to vector<16xf32>
          %mul3A_311 = arith.constant 8.000000e+00 : f32
          %mul3A_312 = vector.broadcast %mul3A_311 : f32 to vector<16xf32>
          %mul3A_313 = arith.mulf %get3A_310, %mul3A_312 : vector<16xf32>
          %swap3A = arith.index_cast %add3A_307 : i32 to index
          %swap3A_314 = arith.constant 0 : index
          %swap3A_315 = tpu.vector_load %arg11[%swap3A, %swap3A_314] {strides = array<i32>} : memref<256x64xf32, #tpu.memory_space<vmem>>, vector<1x16xf32>,
          %swap3A_316 = vector.shape_cast %swap3A_315 : vector<1x16xf32> to vector<16xf32>
          %swap3A_317 = vector.shape_cast %mul3A_313 : vector<16xf32> to vector<1x16xf32>
          tpu.vector_store %arg11[%swap3A, %swap3A_314], %swap3A_317 {strides = array<i32>} : memref<256x64xf32, #tpu.memory_space<vmem>>, vector<1x16xf32>,
          %get3A_318 = arith.index_cast %add3A_307 : i32 to index
          %get3A_319 = arith.constant 16 : index
          %get3A_320 = tpu.vector_load %arg11[%get3A_318, %get3A_319] {strides = array<i32>} : memref<256x64xf32, #tpu.memory_space<vmem>>, vector<1x16xf32>,
          %get3A_321 = vector.shape_cast %get3A_320 : vector<1x16xf32> to vector<16xf32>
          %mul3A_322 = arith.constant 8.000000e+00 : f32
          %mul3A_323 = vector.broadcast %mul3A_322 : f32 to vector<16xf32>
          %mul3A_324 = arith.mulf %get3A_321, %mul3A_323 : vector<16xf32>
          %swap3A_325 = arith.index_cast %add3A_307 : i32 to index
          %swap3A_326 = arith.constant 16 : index
          %swap3A_327 = tpu.vector_load %arg11[%swap3A_325, %swap3A_326] {strides = array<i32>} : memref<256x64xf32, #tpu.memory_space<vmem>>, vector<1x16xf32>,
          %swap3A_328 = vector.shape_cast %swap3A_327 : vector<1x16xf32> to vector<16xf32>
          %swap3A_329 = vector.shape_cast %mul3A_324 : vector<16xf32> to vector<1x16xf32>
          tpu.vector_store %arg11[%swap3A_325, %swap3A_326], %swap3A_329 {strides = array<i32>} : memref<256x64xf32, #tpu.memory_space<vmem>>, vector<1x16xf32>,
          %get3A_330 = arith.index_cast %add3A_307 : i32 to index
          %get3A_331 = arith.constant 32 : index
          %get3A_332 = tpu.vector_load %arg11[%get3A_330, %get3A_331] {strides = array<i32>} : memref<256x64xf32, #tpu.memory_space<vmem>>, vector<1x16xf32>,
          %get3A_333 = vector.shape_cast %get3A_332 : vector<1x16xf32> to vector<16xf32>
          %mul3A_334 = arith.constant 8.000000e+00 : f32
          %mul3A_335 = vector.broadcast %mul3A_334 : f32 to vector<16xf32>
          %mul3A_336 = arith.mulf %get3A_333, %mul3A_335 : vector<16xf32>
          %swap3A_337 = arith.index_cast %add3A_307 : i32 to index
          %swap3A_338 = arith.constant 32 : index
          %swap3A_339 = tpu.vector_load %arg11[%swap3A_337, %swap3A_338] {strides = array<i32>} : memref<256x64xf32, #tpu.memory_space<vmem>>, vector<1x16xf32>,
          %swap3A_340 = vector.shape_cast %swap3A_339 : vector<1x16xf32> to vector<16xf32>
          %swap3A_341 = vector.shape_cast %mul3A_336 : vector<16xf32> to vector<1x16xf32>
          tpu.vector_store %arg11[%swap3A_337, %swap3A_338], %swap3A_341 {strides = array<i32>} : memref<256x64xf32, #tpu.memory_space<vmem>>, vector<1x16xf32>,
          %get3A_342 = arith.index_cast %add3A_307 : i32 to index
          %get3A_343 = arith.constant 48 : index
          %get3A_344 = tpu.vector_load %arg11[%get3A_342, %get3A_343] {strides = array<i32>} : memref<256x64xf32, #tpu.memory_space<vmem>>, vector<1x16xf32>,
          %get3A_345 = vector.shape_cast %get3A_344 : vector<1x16xf32> to vector<16xf32>
          %mul3A_346 = arith.constant 8.000000e+00 : f32
          %mul3A_347 = vector.broadcast %mul3A_346 : f32 to vector<16xf32>
          %mul3A_348 = arith.mulf %get3A_345, %mul3A_347 : vector<16xf32>
          %swap3A_349 = arith.index_cast %add3A_307 : i32 to index
          %swap3A_350 = arith.constant 48 : index
          %swap3A_351 = tpu.vector_load %arg11[%swap3A_349, %swap3A_350] {strides = array<i32>} : memref<256x64xf32, #tpu.memory_space<vmem>>, vector<1x16xf32>,
          %swap3A_352 = vector.shape_cast %swap3A_351 : vector<1x16xf32> to vector<16xf32>
          %swap3A_353 = vector.shape_cast %mul3A_348 : vector<16xf32> to vector<1x16xf32>
          tpu.vector_store %arg11[%swap3A_349, %swap3A_350], %swap3A_353 {strides = array<i32>} : memref<256x64xf32, #tpu.memory_space<vmem>>, vector<1x16xf32>,
        }
        %scan3A_286 = arith.constant 256 : i32
        %mul3A_287 = arith.constant 256 : i32
        %mul3A_288 = arith.muli %add3A_140, %mul3A_287 : i32
        %multiple_of3A_289 = tpu.assume_multiple %mul3A_288, 256 : i32
        %add3A_290 = arith.addi %mul3A_2, %multiple_of3A_289 : i32
        %dma_start3A_291 = arith.constant 0 : i32
        %dma_start3A_292 = tpu.memref_slice %arg4[%add3A_290, %dma_start3A_291] : memref<425984x64xf32, #tpu.memory_space<hbm>> -> memref<256x64xf32, #tpu.memory_space<hbm>>
        %dma_start3A_293 = arith.constant 0 : i32
        %dma_start3A_294 = tpu.memref_slice %arg4[%add3A_290, %dma_start3A_293] : memref<425984x64xf32, #tpu.memory_space<hbm>> -> memref<256x64xf32, #tpu.memory_space<hbm>>
        tpu.enqueue_dma source(%arg11 : memref<256x64xf32, #tpu.memory_space<vmem>>) target(%dma_start3A_294 : memref<256x64xf32, #tpu.memory_space<hbm>>) target_semaphore(%arg23 : memref<!tpu.dma_semaphore, #tpu.memory_space<semaphore_mem>>)
        %add3A_295 = arith.constant 6 : i32
        %add3A_296 = arith.addi %add3A_140, %add3A_295 : i32
        %sub3A = arith.constant 1 : i32
        %sub3A_297 = arith.subi %add3A_296, %sub3A : i32
        %lt3A_298 = arith.constant 52 : i32
        %lt3A_299 = arith.cmpi slt, %sub3A_297, %lt3A_298 : i32
        %convert_element_type3A_300 = arith.extui %lt3A_299 : i1 to i32
        %cond3A_301 = arith.constant 0 : i32
        %cond3A_302 = arith.cmpi ne, %convert_element_type3A_300, %cond3A_301 : i32
        scf.if %cond3A_302 {
          %ge3A = arith.constant 1 : i32
          %ge3A_303 = arith.cmpi sge, %add3A_140, %ge3A : i32
          %convert_element_type3A_304 = arith.extui %ge3A_303 : i1 to i32
          %cond3A_305 = arith.constant 0 : i32
          %cond3A_306 = arith.cmpi ne, %convert_element_type3A_304, %cond3A_305 : i32
          scf.if %cond3A_306 {
            %sub3A_339 = arith.constant 1 : i32
            %sub3A_340 = arith.subi %add3A_140, %sub3A_339 : i32
            %mul3A_341 = arith.constant 256 : i32
            %mul3A_342 = arith.muli %sub3A_340, %mul3A_341 : i32
            %multiple_of3A_343 = tpu.assume_multiple %mul3A_342, 256 : i32
            %add3A_344 = arith.addi %mul3A_2, %multiple_of3A_343 : i32
            %dma_wait3A_345 = arith.constant 0 : i32
            %dma_wait3A_346 = tpu.memref_slice %arg4[%add3A_344, %dma_wait3A_345] : memref<425984x64xf32, #tpu.memory_space<hbm>> -> memref<256x64xf32, #tpu.memory_space<hbm>>
            %dma_wait3A_347 = arith.constant 0 : i32
            %dma_wait3A_348 = tpu.memref_slice %arg4[%add3A_344, %dma_wait3A_347] : memref<425984x64xf32, #tpu.memory_space<hbm>> -> memref<256x64xf32, #tpu.memory_space<hbm>>
            tpu.wait_dma2 semaphore(%arg22 : memref<!tpu.dma_semaphore, #tpu.memory_space<semaphore_mem>>) src(%arg10 : memref<256x64xf32, #tpu.memory_space<vmem>>) dst(%dma_wait3A_348 : memref<256x64xf32, #tpu.memory_space<hbm>>)
          } else {
          }
          %add3A_307 = arith.constant 6 : i32
          %add3A_308 = arith.addi %add3A_140, %add3A_307 : i32
          %sub3A_309 = arith.constant 1 : i32
          %sub3A_310 = arith.subi %add3A_308, %sub3A_309 : i32
          %mul3A_311 = arith.constant 256 : i32
          %mul3A_312 = arith.muli %sub3A_310, %mul3A_311 : i32
          %add3A_313 = arith.constant 0 : i32
          %add3A_314 = arith.addi %mul3A_312, %add3A_313 : i32
          %multiple_of3A_315 = tpu.assume_multiple %add3A_314, 128 : i32
          %dma_start3A_316 = arith.constant 0 : i32
          %dma_start3A_317 = arith.constant 0 : i32
          %dma_start3A_318 = tpu.memref_slice %arg10[%dma_start3A_316, %dma_start3A_317] : memref<256x64xf32, #tpu.memory_space<vmem>> -> memref<128x64xf32, #tpu.memory_space<vmem>>
          %dma_start3A_319 = tpu.memref_slice %arg5[%multiple_of3A_315] : memref<13312xi32, #tpu.memory_space<vmem>> -> memref<128xi32, #tpu.memory_space<vmem>>
          %dma_start3A_320 = arith.constant 0 : i32
          %dma_start3A_321 = arith.constant 0 : i32
          %dma_start3A_322 = tpu.memref_slice %arg3[%dma_start3A_320, %dma_start3A_321] : memref<1000000x64xf32, #tpu.memory_space<hbm>> -> memref<1000000x64xf32, #tpu.memory_space<hbm>>
          tpu.enqueue_indirect_dma source(%dma_start3A_322 : memref<1000000x64xf32, #tpu.memory_space<hbm>>) target(%dma_start3A_318 : memref<128x64xf32, #tpu.memory_space<vmem>>) offsets(%dma_start3A_319 : memref<128xi32, #tpu.memory_space<vmem>>) semaphore(%arg16 : memref<!tpu.dma_semaphore, #tpu.memory_space<semaphore_mem>>)
          %add3A_323 = arith.constant 6 : i32
          %add3A_324 = arith.addi %add3A_140, %add3A_323 : i32
          %sub3A_325 = arith.constant 1 : i32
          %sub3A_326 = arith.subi %add3A_324, %sub3A_325 : i32
          %mul3A_327 = arith.constant 256 : i32
          %mul3A_328 = arith.muli %sub3A_326, %mul3A_327 : i32
          %add3A_329 = arith.constant 128 : i32
          %add3A_330 = arith.addi %mul3A_328, %add3A_329 : i32
          %multiple_of3A_331 = tpu.assume_multiple %add3A_330, 128 : i32
          %dma_start3A_332 = arith.constant 128 : i32
          %dma_start3A_333 = arith.constant 0 : i32
          %dma_start3A_334 = tpu.memref_slice %arg10[%dma_start3A_332, %dma_start3A_333] : memref<256x64xf32, #tpu.memory_space<vmem>> -> memref<128x64xf32, #tpu.memory_space<vmem>>
          %dma_start3A_335 = tpu.memref_slice %arg5[%multiple_of3A_331] : memref<13312xi32, #tpu.memory_space<vmem>> -> memref<128xi32, #tpu.memory_space<vmem>>
          %dma_start3A_336 = arith.constant 0 : i32
          %dma_start3A_337 = arith.constant 0 : i32
          %dma_start3A_338 = tpu.memref_slice %arg3[%dma_start3A_336, %dma_start3A_337] : memref<1000000x64xf32, #tpu.memory_space<hbm>> -> memref<1000000x64xf32, #tpu.memory_space<hbm>>
          tpu.enqueue_indirect_dma source(%dma_start3A_338 : memref<1000000x64xf32, #tpu.memory_space<hbm>>) target(%dma_start3A_334 : memref<128x64xf32, #tpu.memory_space<vmem>>) offsets(%dma_start3A_335 : memref<128xi32, #tpu.memory_space<vmem>>) semaphore(%arg16 : memref<!tpu.dma_semaphore, #tpu.memory_space<semaphore_mem>>)
        } else {
        }
      } else {
      }
    }
    %scan3A_94 = arith.constant 52 : i32
    %multiple_of3A_95 = arith.constant 12288 : i32
    %multiple_of3A_96 = tpu.assume_multiple %multiple_of3A_95, 256 : i32
    %add3A_97 = arith.addi %mul3A_2, %multiple_of3A_96 : i32
    %dma_wait3A = arith.constant 0 : i32
    %dma_wait3A_98 = tpu.memref_slice %arg4[%add3A_97, %dma_wait3A] : memref<425984x64xf32, #tpu.memory_space<hbm>> -> memref<256x64xf32, #tpu.memory_space<hbm>>
    %dma_wait3A_99 = arith.constant 0 : i32
    %dma_wait3A_100 = tpu.memref_slice %arg4[%add3A_97, %dma_wait3A_99] : memref<425984x64xf32, #tpu.memory_space<hbm>> -> memref<256x64xf32, #tpu.memory_space<hbm>>
    tpu.wait_dma2 semaphore(%arg18 : memref<!tpu.dma_semaphore, #tpu.memory_space<semaphore_mem>>) src(%arg6 : memref<256x64xf32, #tpu.memory_space<vmem>>) dst(%dma_wait3A_100 : memref<256x64xf32, #tpu.memory_space<hbm>>)
    %multiple_of3A_101 = arith.constant 12544 : i32
    %multiple_of3A_102 = tpu.assume_multiple %multiple_of3A_101, 256 : i32
    %add3A_103 = arith.addi %mul3A_2, %multiple_of3A_102 : i32
    %dma_wait3A_104 = arith.constant 0 : i32
    %dma_wait3A_105 = tpu.memref_slice %arg4[%add3A_103, %dma_wait3A_104] : memref<425984x64xf32, #tpu.memory_space<hbm>> -> memref<256x64xf32, #tpu.memory_space<hbm>>
    %dma_wait3A_106 = arith.constant 0 : i32
    %dma_wait3A_107 = tpu.memref_slice %arg4[%add3A_103, %dma_wait3A_106] : memref<425984x64xf32, #tpu.memory_space<hbm>> -> memref<256x64xf32, #tpu.memory_space<hbm>>
    tpu.wait_dma2 semaphore(%arg19 : memref<!tpu.dma_semaphore, #tpu.memory_space<semaphore_mem>>) src(%arg7 : memref<256x64xf32, #tpu.memory_space<vmem>>) dst(%dma_wait3A_107 : memref<256x64xf32, #tpu.memory_space<hbm>>)
    %multiple_of3A_108 = arith.constant 12800 : i32
    %multiple_of3A_109 = tpu.assume_multiple %multiple_of3A_108, 256 : i32
    %add3A_110 = arith.addi %mul3A_2, %multiple_of3A_109 : i32
    %dma_wait3A_111 = arith.constant 0 : i32
    %dma_wait3A_112 = tpu.memref_slice %arg4[%add3A_110, %dma_wait3A_111] : memref<425984x64xf32, #tpu.memory_space<hbm>> -> memref<256x64xf32, #tpu.memory_space<hbm>>
    %dma_wait3A_113 = arith.constant 0 : i32
    %dma_wait3A_114 = tpu.memref_slice %arg4[%add3A_110, %dma_wait3A_113] : memref<425984x64xf32, #tpu.memory_space<hbm>> -> memref<256x64xf32, #tpu.memory_space<hbm>>
    tpu.wait_dma2 semaphore(%arg20 : memref<!tpu.dma_semaphore, #tpu.memory_space<semaphore_mem>>) src(%arg8 : memref<256x64xf32, #tpu.memory_space<vmem>>) dst(%dma_wait3A_114 : memref<256x64xf32, #tpu.memory_space<hbm>>)
    %multiple_of3A_115 = arith.constant 13056 : i32
    %multiple_of3A_116 = tpu.assume_multiple %multiple_of3A_115, 256 : i32
    %add3A_117 = arith.addi %mul3A_2, %multiple_of3A_116 : i32
    %dma_wait3A_118 = arith.constant 0 : i32
    %dma_wait3A_119 = tpu.memref_slice %arg4[%add3A_117, %dma_wait3A_118] : memref<425984x64xf32, #tpu.memory_space<hbm>> -> memref<256x64xf32, #tpu.memory_space<hbm>>
    %dma_wait3A_120 = arith.constant 0 : i32
    %dma_wait3A_121 = tpu.memref_slice %arg4[%add3A_117, %dma_wait3A_120] : memref<425984x64xf32, #tpu.memory_space<hbm>> -> memref<256x64xf32, #tpu.memory_space<hbm>>
    tpu.wait_dma2 semaphore(%arg21 : memref<!tpu.dma_semaphore, #tpu.memory_space<semaphore_mem>>) src(%arg9 : memref<256x64xf32, #tpu.memory_space<vmem>>) dst(%dma_wait3A_121 : memref<256x64xf32, #tpu.memory_space<hbm>>)
    %multiple_of3A_122 = arith.constant 11776 : i32
    %multiple_of3A_123 = tpu.assume_multiple %multiple_of3A_122, 256 : i32
    %add3A_124 = arith.addi %mul3A_2, %multiple_of3A_123 : i32
    %dma_wait3A_125 = arith.constant 0 : i32
    %dma_wait3A_126 = tpu.memref_slice %arg4[%add3A_124, %dma_wait3A_125] : memref<425984x64xf32, #tpu.memory_space<hbm>> -> memref<256x64xf32, #tpu.memory_space<hbm>>
    %dma_wait3A_127 = arith.constant 0 : i32
    %dma_wait3A_128 = tpu.memref_slice %arg4[%add3A_124, %dma_wait3A_127] : memref<425984x64xf32, #tpu.memory_space<hbm>> -> memref<256x64xf32, #tpu.memory_space<hbm>>
    tpu.wait_dma2 semaphore(%arg22 : memref<!tpu.dma_semaphore, #tpu.memory_space<semaphore_mem>>) src(%arg10 : memref<256x64xf32, #tpu.memory_space<vmem>>) dst(%dma_wait3A_128 : memref<256x64xf32, #tpu.memory_space<hbm>>)
    %multiple_of3A_129 = arith.constant 12032 : i32
    %multiple_of3A_130 = tpu.assume_multiple %multiple_of3A_129, 256 : i32
    %add3A_131 = arith.addi %mul3A_2, %multiple_of3A_130 : i32
    %dma_wait3A_132 = arith.constant 0 : i32
    %dma_wait3A_133 = tpu.memref_slice %arg4[%add3A_131, %dma_wait3A_132] : memref<425984x64xf32, #tpu.memory_space<hbm>> -> memref<256x64xf32, #tpu.memory_space<hbm>>
    %dma_wait3A_134 = arith.constant 0 : i32
    %dma_wait3A_135 = tpu.memref_slice %arg4[%add3A_131, %dma_wait3A_134] : memref<425984x64xf32, #tpu.memory_space<hbm>> -> memref<256x64xf32, #tpu.memory_space<hbm>>
    tpu.wait_dma2 semaphore(%arg23 : memref<!tpu.dma_semaphore, #tpu.memory_space<semaphore_mem>>) src(%arg11 : memref<256x64xf32, #tpu.memory_space<vmem>>) dst(%dma_wait3A_135 : memref<256x64xf32, #tpu.memory_space<hbm>>)
    return
  }
}

</mosaic_0001>

<sc_bundles>
// kernel: kernel.3.cloned.1.call-start
scs
__scs_entry_jumppad:
0x0: {  	(pc) =	sbr.rel $0x88, $3  }
0x1: {  	(tag) =	ssettag $0x0;
	lr =	simm.s32 $0x1  }
0x2: {  	[smem:$0x3F9F] =	sst lr;
	_ =	strace $0xD0000000  }
0x3: {  	_ = 	snop  }
0x4: {  	_ = 	snop  }
0x5: {  	_ = 	snop  }
0x6: {  	_ = 	snop  }
0x7: {  	_ = 	snop  }
__scs_overlays_trampoline_lowered:
0x8: {  	[smem:$0x3FAE] =	sst s0  }
0x9: {  	[smem:$0x3FAF] =	sst s1  }
0xa: {  	[smem:$0x3FB0] =	sst s2  }
0xb: {  	[smem:$0x3FB1] =	sst s3  }
0xc: {  	[smem:$0x3FB2] =	sst s4  }
0xd: {  	[smem:$0x3FB3] =	sst s5  }
0xe: {  	[smem:$0x3FB4] =	sst s6  }
0xf: {  	[smem:$0x3FB5] =	sst s7  }
0x10: {  	[smem:$0x3FB6] =	sst s8  }
0x11: {  	[smem:$0x3FB7] =	sst s9;
	s0 =	simm.s32 @!p0 $0x0  }
0x12: {  	s1 =	sld [smem:$0x3F9D];
	s0 =	simm.s32 @p0 $0x1  }
0x13: {  	[smem:$0x3FB8] =	sst s0;
	s0 =	simm.s32 @!p1 $0x0  }
0x14: {  	s2 =	sld [smem:$0x3F9C];
	s0 =	simm.s32 @p1 $0x1  }
0x15: {  	[smem:$0x3FB9] =	sst s0;
	s0 =	simm.s32 @!p2 $0x0  }
0x16: {  	s3 =	sld [smem:$0x3FDB];
	s0 =	simm.s32 @p2 $0x1  }
0x17: {  	s4 =	simm.s32 $0x1BF5;
	[smem:$0x3FBB] =	sst s0  }
0x18: {  	s0 =	sld [smem:$0x3F9E];
	_ =	swait.ge [sflag:s4], $0x0  }
0x19: {  	s7 =	sld [smem:$0x3F9F]  }
0x1a: {  	s8 =	sadd.s32 $0xFFFFE003, lr  }
0x1b: {  	s9 =	sadd.s32 $0xFFFFFEF7, lr;
	s5 =	simm.s32 $0xFFFFFFFF;
	p2 =	slt.u32 s8, $0xFFFFF086  }
0x1c: {  	p1 =	slt.u32 s9, $0xF7A;
	s5 =	simm.s32 @!p2 $0x0  }
0x1d: {  	s5 =	simm.s32 @p1 $0x1;
	p0 =	seq.s32 s7, s2  }
0x1e: {  	s7 =	smul.u32 @!p0 $0xF7A, s2;
	p2 =	seq.s32 @!p0 s5, $0x0  }
0x1f: {  	s9 =	smul.u32 $0xF7A, s1;
	s8 =	simm.s32 @!p0 $0x1BF5;
	p2 =	por !p2, p0  }
0x20: {  	[sflag:s8] =	ssyncset.s32 @!p0 $0xFFFFF086;
	s6 =	sadd.s32 @!p0 s3, s7;
	s7 =	simm.s32 @!p0 $0x108  }
0x21: {  	s3 =	sadd.s32 s3, s9;
	s6 =	sadd.s32 @!p0 $0x88, s6;
	s7 =	simm.s32 @p2 $0x1082  }
0x22: {  	[simem:s7], [sflag:s8] =	dma.local @!p0 [hbm:s6], $0xF7A  }
0x23: {  	s9 =	sor.u32 $0xD0000000, s2;
	s6 =	simm.s32 $0x108;
	_ =	swait.ge @!p0 [sflag:s8], $0x0  }
0x24: {  	s3 =	sadd.s32 $0x88, s3;
	s6 =	simm.s32 @!p1 $0x1082;
	[sflag:s4] =	ssyncset.s32 $0xFFFFF086  }
0x25: {  	[simem:s6], [sflag:s4] =	dma.local [hbm:s3], $0xF7A  }
0x26: {  	[smem:$0x3F9F] =	sst s1;
	(tag) =	ssettag s2;
	_ =	strace s9  }
0x27: {  	s1 =	sld [smem:$0x3FAF]  }
0x28: {  	s2 =	sld [smem:$0x3FB0]  }
0x29: {  	s4 =	sld [smem:$0x3FB2]  }
0x2a: {  	p0 =	seq.s32 s5, $0x0;
	s5 =	sld [smem:$0x3FB3]  }
0x2b: {  	s6 =	sld [smem:$0x3FB4]  }
0x2c: {  	s7 =	sld [smem:$0x3FB5]  }
0x2d: {  	s3 =	simm.s32 $0x108;
	s8 =	sld [smem:$0x3FB6]  }
0x2e: {  	s3 =	simm.s32 @!p0 $0x1082;
	s9 =	sld [smem:$0x3FB7]  }
0x2f: {  	lr =	sadd.s32 s0, s3;
	s0 =	sld [smem:$0x3FAE]  }
0x30: {  	s3 =	sld [smem:$0x3FB1]  }
0x31: {  	[smem:$0x3FBA] =	sst s10  }
0x32: {  	s10 =	sld [smem:$0x3FB8];
	_ =	sdelay $0x3  }
0x33: {  	p0 =	seq.s32 s10, $0x1;
	s10 =	sld [smem:$0x3FBA];
	_ =	sdelay $0x3  }
0x34: {  	[smem:$0x3FBA] =	sst s10  }
0x35: {  	s10 =	sld [smem:$0x3FB9];
	_ =	sdelay $0x3  }
0x36: {  	p1 =	seq.s32 s10, $0x1;
	s10 =	sld [smem:$0x3FBA];
	_ =	sdelay $0x3  }
0x37: {  	[smem:$0x3FBA] =	sst s10  }
0x38: {  	s10 =	sld [smem:$0x3FBB]  }
0x39: {  	_ = 	snop;
	(pc) =	sbr.ind lr, $3  }
0x3a: {  	_ = 	snop  }
0x3b: {  	_ = 	snop  }
0x3c: {  	p2 =	seq.s32 s10, $0x1;
	s10 =	sld [smem:$0x3FBA]  }
0x3d: {  	_ =	shalt  }
0x3e: {  	_ =	shalt  }
0x3f: {  	_ =	shalt  }
0x40: {  	_ =	shalt  }
0x41: {  	_ =	shalt  }
0x42: {  	_ =	shalt  }
0x43: {  	_ =	shalt  }
0x44: {  	_ =	shalt  }
0x45: {  	_ =	shalt  }
0x46: {  	_ =	shalt  }
0x47: {  	_ =	shalt  }
0x48: {  	_ =	shalt  }
0x49: {  	_ =	shalt  }
0x4a: {  	_ =	shalt  }
0x4b: {  	_ =	shalt  }
0x4c: {  	_ =	shalt  }
0x4d: {  	_ =	shalt  }
0x4e: {  	_ =	shalt  }
0x4f: {  	_ =	shalt  }
0x50: {  	_ =	shalt  }
0x51: {  	_ =	shalt  }
0x52: {  	_ =	shalt  }
0x53: {  	_ =	shalt  }
0x54: {  	_ =	shalt  }
0x55: {  	_ =	shalt  }
0x56: {  	_ =	shalt  }
0x57: {  	_ =	shalt  }
0x58: {  	_ =	shalt  }
0x59: {  	_ =	shalt  }
0x5a: {  	_ =	shalt  }
0x5b: {  	_ =	shalt  }
0x5c: {  	_ =	shalt  }
0x5d: {  	_ =	shalt  }
0x5e: {  	_ =	shalt  }
0x5f: {  	_ =	shalt  }
0x60: {  	_ =	shalt  }
0x61: {  	_ =	shalt  }
0x62: {  	_ =	shalt  }
0x63: {  	_ =	shalt  }
0x64: {  	_ =	shalt  }
0x65: {  	_ =	shalt  }
0x66: {  	_ =	shalt  }
0x67: {  	_ =	shalt  }
0x68: {  	_ =	shalt  }
0x69: {  	_ =	shalt  }
0x6a: {  	_ =	shalt  }
0x6b: {  	_ =	shalt  }
0x6c: {  	_ =	shalt  }
0x6d: {  	_ =	shalt  }
0x6e: {  	_ =	shalt  }
0x6f: {  	_ =	shalt  }
0x70: {  	_ =	shalt  }
0x71: {  	_ =	shalt  }
0x72: {  	_ =	shalt  }
0x73: {  	_ =	shalt  }
0x74: {  	_ =	shalt  }
0x75: {  	_ =	shalt  }
0x76: {  	_ =	shalt  }
0x77: {  	_ =	shalt  }
0x78: {  	_ =	shalt  }
0x79: {  	_ =	shalt  }
0x7a: {  	_ =	shalt  }
0x7b: {  	_ =	shalt  }
0x7c: {  	_ =	shalt  }
0x7d: {  	_ =	shalt  }
0x7e: {  	_ =	shalt  }
0x7f: {  	_ =	shalt  }
0x80: {  	_ =	shalt  }
0x81: {  	_ =	shalt  }
0x82: {  	_ =	shalt  }
0x83: {  	_ =	shalt  }
0x84: {  	_ =	shalt  }
0x85: {  	_ =	shalt  }
0x86: {  	_ =	shalt  }
0x87: {  	_ =	shalt  }
.Lfunc_end0:
.L_simem_size_0:
called_computation.1_lowered:
.L_overlay_start_0:
0x88: {  	s2 =	sld [smem:$0x3FD9]  }
0x89: {  	s3 =	sld [smem:$0x3FFE];
	_ =	sdelay $0x1  }
0x8a: {  	s1 =	srdreg.scid  }
0x8b: {  	s0 =	sand.u32 $0x1, s1  }
0x8c: {  	s17 =	sshll.u32 s0, $0xA;
	s2 =	sadd.s32 s3, s2  }
0x8d: {  	s2 =	sadd.s32 s2, s17  }
0x8e: {  	[smem:$0x3FC6] =	sst s2  }
0x8f: {  	_ = 	snop  }
0x90: {  	s2 =	sld [smem:$0x3FD0];
	(tm) =	ssettm $0x1  }
0x91: {  	s18 =	sld [smem:$0x3FFB];
	_ =	sdelay $0x3  }
0x92: {  	_ =	strace s18  }
0x93: {  	s3 =	sld [smem:$0x3FFC];
	_ =	sdelay $0x3  }
0x94: {  	_ =	strace s3  }
0x95: {  	s3 =	sld [smem:$0x3FFD];
	_ =	sdelay $0x3  }
0x96: {  	_ =	strace s3  }
0x97: {  	_ =	strace $0x8FFFFFFF  }
0x98: {  	s19 =	sld [smem:$0x3FDB];
	_ =	sdelay $0x1  }
0x99: {  	s4 =	simm.s32 $_scs_section_size  }
0x9a: {  	s5 =	simm.s32 $_size__tile_overlayer_lowered;
	s6 =	simm.s32 $_tile_overlayer_lowered  }
0x9b: {  	s22 =	simm.s32 $0x1BFF;
	s21 =	sshll.u32 s6, $0x1;
	s3 =	sadd.s32 s4, s19  }
0x9c: {  	s7 =	simm.s32 $0x0;
	s20 =	sshll.u32 s5, $0x1;
	s5 =	sadd.s32 s21, s3  }
0x9d: {  	[timem:s7], [sflag:s22] =	dma.local [hbm:s5], s20  }
0x9e: {  	_ =	swait.ge [sflag:s22], s20  }
0x9f: {  	s4 =	ssub.s32 $0x0, s20;
	[sflag:s22] =	ssyncset.done $0x0  }
0xa0: {  	[sflag:s22] =	ssyncadd.s32 s4;
	_ =	sdelay $0x1  }
0xa1: {  	s23 =	simm.s32 $0x1B8B  }
0xa2: {  	_ =	swait.ge [sflag:s23], $0x1  }
0xa3: {  	[sflag:s23] =	ssyncset.done $0x0  }
0xa4: {  	s25 =	simm.s32 $0x1B8E;
	s24 =	sld [smem:$0x3FFE];
	[sflag:s23] =	ssyncadd.s32 $0xFFFFFFFF  }
0xa5: {  	s26 =	simm.s32 $execute0_lowered;
	[smem:$0x3FD2] =	sst s25  }
0xa6: {  	s5 =	sshll.u32 s26, $0x1;
	_ =	strace $0x80000046;
	[dreg:$0x1] =	wrdreg $0xFFFFFFFF  }
0xa7: {  	s28 =	simm.s32 $_size_execute0_lowered;
	s3 =	sadd.s32 s3, s5;
	[dreg:$0x0] =	wrdreg $0x0  }
0xa8: {  	s5 =	sshll.u32 s28, $0x1;
	[dreg:$0x2] =	wrdreg s3  }
0xa9: {  	[dreg:$0x3] =	wrdreg s5  }
0xaa: {  	[dreg:$0x4] =	wrdreg $0xC0  }
0xab: {  	_ =	task [dreg:s7], $0x5FFFF  }
0xac: {  	[dreg:$0x1] =	wrdreg $0xFFFFFFFF  }
0xad: {  	[dreg:$0x0] =	wrdreg $0x60  }
0xae: {  	[dreg:$0x2] =	wrdreg s24  }
0xaf: {  	[dreg:$0x3] =	wrdreg s2  }
0xb0: {  	[dreg:$0x4] =	wrdreg $0x9  }
0xb1: {  	_ =	task.clear_ibuf [dreg:s7], $0x5FFFF;
	_ =	strace $0x90000046  }
0xb2: {  	s29 =	simm.s32 $0x9;
	_ =	strace $0x80000048  }
0xb3: {  	_ =	swait.ge [sflag:s29], $0x1  }
0xb4: {  	[sflag:s29] =	ssyncadd.s32 $0xFFFFFFFF  }
0xb5: {  	_ =	strace $0x90000048  }
0xb6: {  	_ =	sfence  }
0xb7: {  	s30 =	sld [smem:$0x0];
	_ =	sdelay $0x2  }
0xb8: {  	s31 =	sshll.u32 s1, $0xD;
	s1 =	sshrl.u32 s1, $0x2  }
0xb9: {  	s3 =	sand.u32 $0x4000, s31;
	s1 =	sadd.s32 s1, s30  }
0xba: {  	s0 =	sor.u32 s3, s0;
	s1 =	sshll.u32 s1, $0x11  }
0xbb: {  	s0 =	sor.u32 s1, s0  }
0xbc: {  	s0 =	sadd.s32 $0x8F2B, s0  }
0xbd: {  	[sflag:s0] =	ssyncadd.remote.s32 $0x1  }
0xbe: {  	_ =	sfence.sel $0xFFFF  }
0xbf: {  	[dreg:$0x0] =	wrdreg $0xFFFFFFFF;
	(pc) =	sbr.abs _section_cstart, $3  }
0xc0: {  	[dreg:$0x1] =	wrdreg $0xFFFFFFFF  }
0xc1: {  	_ =	task.clear_ibuf [dreg:s7], $0x2FFFF;
	_ =	strace $0x9FFFFFFF  }
0xc2: {  	(tm) =	ssettm $0x7FFFFFFF  }
0xc3: {  	_ =	shalt  }
tec
execute0_lowered:
.L_overlay_start_1:
0x0: {  	(tag) =	ssettag $0x1  }
0x1: {  	s0 =	srdreg.scid  }
0x2: {  	s2 =	stileid.u32;
	s1 =	rddreg [dreg:$0x0]  }
0x3: {  	s8 =	simm.s32 $0xD;
	s9 =	simm.s32 $0x80;
	s10 =	simm.s32 $0x3400  }
0x4: {  	s13 =	simm.s32 $0x7400;
	s17 =	simm.s32 $0xB400;
	s21 =	simm.s32 $0xF400  }
0x5: {  	s25 =	simm.s32 $0x13400;
	s29 =	simm.s32 $0x1;
	s30 =	simm.s32 $0x2  }
0x6: {  	s31 =	simm.s32 $0x3;
	s11 =	simm.s32 $0x9;
	s12 =	simm.s32 $0xA  }
0x7: {  	s14 =	simm.s32 $0xB;
	s15 =	simm.s32 $0xC;
	s16 =	simm.s32 $0x4  }
0x8: {  	s18 =	simm.s32 $0x5;
	s0 =	sand.u32 $0x1, s0;
	s3 =	sshll.u32 s2, $0x1  }
0x9: {  	s19 =	simm.s32 $0x6;
	s20 =	simm.s32 $0x17400;
	s6 =	sor.u32 s0, s3  }
0xa: {  	s22 =	simm.s32 $0x0;
	s2 =	rddreg [dreg:$0x1];
	s4 =	smul.u32 $0x680, s6  }
.Ltmp0:
0xb: {  	s3 =	simm.s32 $0x0;
	s0 =	ssub.s32 $0x2, s0;
	(pc) =	sbr.rel .LBB2_1-.Ltmp0, $4  }
0xc: {  	[smem:$0x7FF] =	sst s3;
	s7 =	sshrl.u32 s0, $0x1;
	s6 =	smul.u32 $0xD0000, s6  }
0xd: {  	_ =	strace $0x80000047;
	s0 =	ssub.s32 s0, s7;
	s5 =	sadd.s32 s4, s1  }
0xe: {  	s4 =	sadd.s32 $0xF42E00, s1;
	s7 =	smax.u32 s0, $0x1;
	s28 =	sadd.s32 $0xA00, s5  }
0xf: {  	s1 =	simm.s32 $0x7;
	s0 =	simm.s32 $0x8;
	[dreg:$0x3] =	wrdreg s28  }
.LBB2_26:
0x10: {  	_ =	swait.ge [sflag:s1], $0x4000  }
0x11: {  	[sflag:s1] =	ssyncset.done $0x0  }
0x12: {  	[sflag:s1] =	ssyncadd.s32 $0xFFFFC000  }
0x13: {  	_ =	swait.ge [sflag:s0], $0x4000  }
0x14: {  	[sflag:s0] =	ssyncset.done $0x0  }
0x15: {  	[sflag:s0] =	ssyncadd.s32 $0xFFFFC000  }
0x16: {  	_ =	swait.ge [sflag:s11], $0x4000  }
0x17: {  	[sflag:s11] =	ssyncset.done $0x0  }
0x18: {  	[sflag:s11] =	ssyncadd.s32 $0xFFFFC000  }
0x19: {  	_ =	swait.ge [sflag:s12], $0x4000  }
0x1a: {  	[sflag:s12] =	ssyncset.done $0x0  }
0x1b: {  	s22 =	sadd.s32 $0x1, s22;
	[sflag:s12] =	ssyncadd.s32 $0xFFFFC000  }
0x1c: {  	p0 =	sne.s32 s22, s7;
	_ =	swait.ge [sflag:s14], $0x4000  }
.Ltmp1:
0x1d: {  	[sflag:s14] =	ssyncset.done $0x0;
	(pc) =	sbr.rel @!p0 .LBB2_27-.Ltmp1, $4  }
0x1e: {  	[sflag:s14] =	ssyncadd.s32 $0xFFFFC000  }
0x1f: {  	_ =	swait.ge [sflag:s15], $0x4000  }
0x20: {  	[sflag:s15] =	ssyncset.done $0x0  }
0x21: {  	[sflag:s15] =	ssyncadd.s32 $0xFFFFC000  }
.LBB2_1:
0x22: {  	s5 =	rddreg [dreg:$0x3]  }
0x23: {  	[tilespmem:s3], [sflag:$0xD] =	stream.linear.gather [hbm4b:s5+s3], $0x3400, $0x38;
	[tilespmem:$0x1B400] =	vst v63  }
0x24: {  	_ =	swait.ge [sflag:s8], $0x3400  }
0x25: {  	[sflag:s8] =	ssyncset.done $0x0  }
0x26: {  	[sflag:s8] =	ssyncadd.s32 $0xFFFFCC00  }
0x27: {  	[tilespmem:s10], [sflag:$0x1] =	stream.indirect.gather [hbm4b:s4+s9], $0x40, s3, s9, $0xb8;
	[tilespmem:$0x1B400] =	vst v63  }
0x28: {  	s24 =	simm.s32 $0x5400  }
0x29: {  	[tilespmem:s24], [sflag:$0x1] =	stream.indirect.gather [hbm4b:s4+s9], $0x40, s9, s9, $0xb8;
	[tilespmem:$0x1B400] =	vst v63  }
0x2a: {  	s26 =	simm.s32 $0x100  }
0x2b: {  	[tilespmem:s13], [sflag:$0x2] =	stream.indirect.gather [hbm4b:s4+s9], $0x40, s26, s9, $0xb8;
	[tilespmem:$0x1B400] =	vst v63  }
0x2c: {  	s28 =	simm.s32 $0x180;
	s23 =	simm.s32 $0x9400  }
0x2d: {  	[tilespmem:s23], [sflag:$0x2] =	stream.indirect.gather [hbm4b:s4+s9], $0x40, s28, s9, $0xb8;
	[tilespmem:$0x1B400] =	vst v63  }
0x2e: {  	s24 =	simm.s32 $0x200  }
0x2f: {  	[tilespmem:s17], [sflag:$0x3] =	stream.indirect.gather [hbm4b:s4+s9], $0x40, s24, s9, $0xb8;
	[tilespmem:$0x1B400] =	vst v63  }
0x30: {  	s26 =	simm.s32 $0x280;
	s28 =	simm.s32 $0xD400  }
0x31: {  	[tilespmem:s28], [sflag:$0x3] =	stream.indirect.gather [hbm4b:s4+s9], $0x40, s26, s9, $0xb8;
	[tilespmem:$0x1B400] =	vst v63  }
0x32: {  	s24 =	simm.s32 $0x300  }
0x33: {  	[tilespmem:s21], [sflag:$0x4] =	stream.indirect.gather [hbm4b:s4+s9], $0x40, s24, s9, $0xb8;
	[tilespmem:$0x1B400] =	vst v63  }
0x34: {  	s26 =	simm.s32 $0x380;
	s28 =	simm.s32 $0x11400  }
0x35: {  	[tilespmem:s28], [sflag:$0x4] =	stream.indirect.gather [hbm4b:s4+s9], $0x40, s26, s9, $0xb8;
	[tilespmem:$0x1B400] =	vst v63  }
.Ltmp2:
0x36: {  	_ = 	snop;
	(pc) =	sbr.rel .LBB2_2-.Ltmp2, $4  }
0x37: {  	s24 =	simm.s32 $0x400  }
0x38: {  	[tilespmem:s25], [sflag:$0x5] =	stream.indirect.gather [hbm4b:s4+s9], $0x40, s24, s9, $0xb8;
	[tilespmem:$0x1B400] =	vst v63  }
0x39: {  	s23 =	simm.s32 $0x0;
	s26 =	simm.s32 $0x480;
	s28 =	simm.s32 $0x15400  }
0x3a: {  	[tilespmem:s28], [sflag:$0x5] =	stream.indirect.gather [hbm4b:s4+s9], $0x40, s26, s9, $0xb8;
	[tilespmem:$0x1B400] =	vst v63  }
.LBB2_15:
0x3b: {  	v3 =	vld [tilespmem:s24+$0x3430];
	_ =	sdelay $0x1  }
0x3c: {  	v0 =	vmul.f32 $8.000000000e+00, v0  }
0x3d: {  	v2 =	vmul.f32 $8.000000000e+00, v2  }
0x3e: {  	v62 =	vmul.f32 $8.000000000e+00, v1;
	s26 =	sshll.u32 s23, $0xE;
	p0 =	sgt.u32 s23, $0x2E;
	[tilespmem:s24+$0x3400] =	vst v0  }
0x3f: {  	s26 =	sadd.s32 s6, s26;
	p1 =	seq.s32 @!p0 s23, $0x0;
	[tilespmem:s24+$0x3410] =	vst v2;
	v63 =	vmul.f32 $8.000000000e+00, v3  }
0x40: {  	[tilespmem:s24+$0x3420] =	vst v62;
	s26 =	sshrl.u32 s26, $0x3;
	p1 =	por p1, p0  }
0x41: {  	s28 =	sadd.s32 s2, s26;
	[tilespmem:s24+$0x3430] =	vst v63;
	s24 =	simm.s32 @!p1 $0xC  }
0x42: {  	[hbm4b:s28+s3] =	stream.linear.scatter [tilespmem:s10], [sflag:$0x7], $0x4000, $0x38;
	[tilespmem:$0x1B400] =	vst v63  }
0x43: {  	_ =	swait.ge @!p1 [sflag:s24], $0x4000  }
0x44: {  	s26 =	sshll.u32 @!p0 s23, $0x8;
	[sflag:s24] =	ssyncset.done @!p1 $0x0  }
0x45: {  	[sflag:s24] =	ssyncadd.s32 @!p1 $0xFFFFC000;
	s24 =	sand.u32 @!p0 $0x3FFFFF00, s26  }
0x46: {  	s5 =	simm.s32 @!p0 $0x17400;
	s28 =	simm.s32 @!p0 $0x80;
	s26 =	sadd.s32 @!p0 $0x500, s24  }
0x47: {  	[tilespmem:s5], [sflag:$0x6] =	stream.indirect.gather @!p0 [hbm4b:s4+s28], $0x40, s26, s28, $0xb8;
	[tilespmem:$0x1B400] =	vst v63  }
0x48: {  	s5 =	sadd.s32 @!p0 $0x580, s24;
	s24 =	simm.s32 @!p0 $0x19400  }
0x49: {  	[tilespmem:s24], [sflag:$0x6] =	stream.indirect.gather @!p0 [hbm4b:s4+s28], $0x40, s5, s28, $0xb8;
	[tilespmem:$0x1B400] =	vst v63  }
.LBB2_25:
0x4a: {  	s23 =	sadd.s32 $0x1, s23  }
0x4b: {  	p0 =	sne.s32 s23, $0x34  }
.Ltmp3:
0x4c: {  	_ = 	snop;
	(pc) =	sbr.rel @!p0 .LBB2_26-.Ltmp3, $1  }
0x4d: {  	_ =	sdelay $0x3  }
.LBB2_2:
0x4e: {  	s24 =	smul.u32 $0xAB, s23;
	_ =	sdelay $0x1  }
0x4f: {  	s24 =	sshrl.u32 s24, $0xA  }
0x50: {  	s24 =	sand.u32 $0x3F, s24  }
0x51: {  	s24 =	smul.u32 $0x6, s24;
	_ =	sdelay $0x1  }
0x52: {  	s24 =	ssub.s32 s23, s24  }
0x53: {  	s24 =	sand.u32 $0xFF, s24  }
0x54: {  	p0 =	sgt.s32 s24, $0x2  }
.Ltmp4:
0x55: {  	_ = 	snop;
	(pc) =	sbr.rel @p0 .LBB2_8-.Ltmp4, $1  }
0x56: {  	_ =	sdelay $0x3  }
0x57: {  	p0 =	seq.s32 s24, $0x0  }
.Ltmp5:
0x58: {  	_ = 	snop;
	(pc) =	sbr.rel @p0 .LBB2_13-.Ltmp5, $1  }
0x59: {  	_ =	sdelay $0x3  }
0x5a: {  	p0 =	seq.s32 s24, $0x1  }
.Ltmp6:
0x5b: {  	_ = 	snop;
	(pc) =	sbr.rel @!p0 .LBB2_16-.Ltmp6, $1  }
0x5c: {  	_ =	sdelay $0x3  }
0x5d: {  	_ =	swait.ge [sflag:s30], $0x2000  }
0x5e: {  	[sflag:s30] =	ssyncset.done $0x0  }
0x5f: {  	[sflag:s30] =	ssyncadd.s32 $0xFFFFE000  }
0x60: {  	_ =	swait.ge [sflag:s30], $0x2000  }
0x61: {  	[sflag:s30] =	ssyncset.done $0x0  }
0x62: {  	s24 =	simm.s32 $0x0;
	[sflag:s30] =	ssyncadd.s32 $0xFFFFE000  }
0x63: {  	v0 =	vld [tilespmem:s24+$0x7400]  }
0x64: {  	v2 =	vld [tilespmem:s24+$0x7410]  }
0x65: {  	s26 =	simm.s32 $0x100;
	v1 =	vld [tilespmem:s24+$0x7420]  }
.LBB2_6:
0x66: {  	p0 =	sne.s32 s26, $0xFF00;
	v3 =	vld [tilespmem:s24+$0x7430];
	_ =	sdelay $0x1  }
0x67: {  	v0 =	vmul.f32 $8.000000000e+00, v0  }
.Ltmp7:
0x68: {  	v2 =	vmul.f32 $8.000000000e+00, v2;
	(pc) =	sbr.rel @p0 .LBB2_6-.Ltmp7, $4  }
0x69: {  	s5 =	sshra.s32 s26, $0x2;
	[tilespmem:s24+$0x7400] =	vst v0;
	v1 =	vmul.f32 $8.000000000e+00, v1  }
0x6a: {  	v0 =	vld [tilespmem:s5+$0x7400];
	[tilespmem:s24+$0x7410] =	vst v2;
	v3 =	vmul.f32 $8.000000000e+00, v3  }
0x6b: {  	v2 =	vld [tilespmem:s5+$0x7410];
	[tilespmem:s24+$0x7420] =	vst v1  }
0x6c: {  	s26 =	sadd.s32 $0x100, s26;
	v1 =	vld [tilespmem:s5+$0x7420];
	[tilespmem:s24+$0x7430] =	vst v3;
	s24 =	smov.u32 s5  }
0x6d: {  	v3 =	vld [tilespmem:s24+$0x7430];
	_ =	sdelay $0x1  }
0x6e: {  	v0 =	vmul.f32 $8.000000000e+00, v0  }
0x6f: {  	v2 =	vmul.f32 $8.000000000e+00, v2  }
0x70: {  	s5 =	sshll.u32 s23, $0xE;
	[tilespmem:s24+$0x7400] =	vst v0;
	v62 =	vmul.f32 $8.000000000e+00, v1  }
0x71: {  	s5 =	sadd.s32 s6, s5;
	[tilespmem:s24+$0x7410] =	vst v2;
	v63 =	vmul.f32 $8.000000000e+00, v3  }
0x72: {  	s5 =	sshrl.u32 s5, $0x3;
	[tilespmem:s24+$0x7420] =	vst v62  }
0x73: {  	p0 =	sgt.u32 s23, $0x2E;
	s5 =	sadd.s32 s2, s5;
	[tilespmem:s24+$0x7430] =	vst v63  }
0x74: {  	[hbm4b:s5+s3] =	stream.linear.scatter [tilespmem:s13], [sflag:$0x8], $0x4000, $0x38;
	[tilespmem:$0x1B400] =	vst v63  }
0x75: {  	s5 =	simm.s32 @!p0 $0x7  }
0x76: {  	_ =	swait.ge @!p0 [sflag:s5], $0x4000  }
0x77: {  	s24 =	sshll.u32 @!p0 s23, $0x8;
	[sflag:s5] =	ssyncset.done @!p0 $0x0  }
.Ltmp8:
0x78: {  	[sflag:s5] =	ssyncadd.s32 @!p0 $0xFFFFC000;
	s5 =	sand.u32 @!p0 $0x3FFFFF00, s24;
	(pc) =	sbr.rel .LBB2_25-.Ltmp8, $4  }
0x79: {  	s26 =	simm.s32 @!p0 $0x80;
	s28 =	simm.s32 @!p0 $0x3400;
	s24 =	sadd.s32 @!p0 $0x500, s5  }
0x7a: {  	[tilespmem:s28], [sflag:$0x1] =	stream.indirect.gather @!p0 [hbm4b:s4+s26], $0x40, s24, s26, $0xb8;
	[tilespmem:$0x1B400] =	vst v63  }
0x7b: {  	s5 =	sadd.s32 @!p0 $0x580, s5;
	s24 =	simm.s32 @!p0 $0x5400  }
0x7c: {  	[tilespmem:s24], [sflag:$0x1] =	stream.indirect.gather @!p0 [hbm4b:s4+s26], $0x40, s5, s26, $0xb8;
	[tilespmem:$0x1B400] =	vst v63  }
.LBB2_8:
0x7d: {  	p0 =	seq.s32 s24, $0x3  }
.Ltmp9:
0x7e: {  	_ = 	snop;
	(pc) =	sbr.rel @p0 .LBB2_19-.Ltmp9, $1  }
0x7f: {  	_ =	sdelay $0x3  }
0x80: {  	p0 =	seq.s32 s24, $0x4  }
.Ltmp10:
0x81: {  	_ = 	snop;
	(pc) =	sbr.rel @!p0 .LBB2_22-.Ltmp10, $1  }
0x82: {  	_ =	sdelay $0x3  }
0x83: {  	_ =	swait.ge [sflag:s18], $0x2000  }
0x84: {  	[sflag:s18] =	ssyncset.done $0x0  }
0x85: {  	[sflag:s18] =	ssyncadd.s32 $0xFFFFE000  }
0x86: {  	_ =	swait.ge [sflag:s18], $0x2000  }
0x87: {  	[sflag:s18] =	ssyncset.done $0x0  }
0x88: {  	s24 =	simm.s32 $0x0;
	[sflag:s18] =	ssyncadd.s32 $0xFFFFE000  }
0x89: {  	v0 =	vld [tilespmem:s24+$0x13400]  }
0x8a: {  	v2 =	vld [tilespmem:s24+$0x13410]  }
0x8b: {  	s26 =	simm.s32 $0x100;
	v1 =	vld [tilespmem:s24+$0x13420]  }
.LBB2_11:
0x8c: {  	p0 =	sne.s32 s26, $0xFF00;
	v3 =	vld [tilespmem:s24+$0x13430];
	_ =	sdelay $0x1  }
0x8d: {  	v0 =	vmul.f32 $8.000000000e+00, v0  }
.Ltmp11:
0x8e: {  	v2 =	vmul.f32 $8.000000000e+00, v2;
	(pc) =	sbr.rel @p0 .LBB2_11-.Ltmp11, $4  }
0x8f: {  	s5 =	sshra.s32 s26, $0x2;
	[tilespmem:s24+$0x13400] =	vst v0;
	v1 =	vmul.f32 $8.000000000e+00, v1  }
0x90: {  	v0 =	vld [tilespmem:s5+$0x13400];
	[tilespmem:s24+$0x13410] =	vst v2;
	v3 =	vmul.f32 $8.000000000e+00, v3  }
0x91: {  	v2 =	vld [tilespmem:s5+$0x13410];
	[tilespmem:s24+$0x13420] =	vst v1  }
0x92: {  	s26 =	sadd.s32 $0x100, s26;
	v1 =	vld [tilespmem:s5+$0x13420];
	[tilespmem:s24+$0x13430] =	vst v3;
	s24 =	smov.u32 s5  }
0x93: {  	v3 =	vld [tilespmem:s24+$0x13430];
	_ =	sdelay $0x1  }
0x94: {  	v0 =	vmul.f32 $8.000000000e+00, v0  }
0x95: {  	v2 =	vmul.f32 $8.000000000e+00, v2  }
0x96: {  	s5 =	sshll.u32 s23, $0xE;
	[tilespmem:s24+$0x13400] =	vst v0;
	v62 =	vmul.f32 $8.000000000e+00, v1  }
0x97: {  	p0 =	sgt.u32 s23, $0x2E;
	s5 =	sadd.s32 s6, s5;
	[tilespmem:s24+$0x13410] =	vst v2;
	v63 =	vmul.f32 $8.000000000e+00, v3  }
0x98: {  	p1 =	seq.s32 @!p0 s23, $0x0;
	s5 =	sshrl.u32 s5, $0x3;
	[tilespmem:s24+$0x13420] =	vst v62  }
0x99: {  	p1 =	por p1, p0;
	s5 =	sadd.s32 s2, s5;
	[tilespmem:s24+$0x13430] =	vst v63  }
0x9a: {  	[hbm4b:s5+s3] =	stream.linear.scatter [tilespmem:s25], [sflag:$0xB], $0x4000, $0x38;
	[tilespmem:$0x1B400] =	vst v63  }
0x9b: {  	s5 =	simm.s32 @!p1 $0xA  }
0x9c: {  	_ =	swait.ge @!p1 [sflag:s5], $0x4000  }
0x9d: {  	s24 =	sshll.u32 @!p0 s23, $0x8;
	[sflag:s5] =	ssyncset.done @!p1 $0x0  }
.Ltmp12:
0x9e: {  	[sflag:s5] =	ssyncadd.s32 @!p1 $0xFFFFC000;
	s5 =	sand.u32 @!p0 $0x3FFFFF00, s24;
	(pc) =	sbr.rel .LBB2_25-.Ltmp12, $4  }
0x9f: {  	s26 =	simm.s32 @!p0 $0x80;
	s28 =	simm.s32 @!p0 $0xF400;
	s24 =	sadd.s32 @!p0 $0x500, s5  }
0xa0: {  	[tilespmem:s28], [sflag:$0x4] =	stream.indirect.gather @!p0 [hbm4b:s4+s26], $0x40, s24, s26, $0xb8;
	[tilespmem:$0x1B400] =	vst v63  }
0xa1: {  	s5 =	sadd.s32 @!p0 $0x580, s5;
	s24 =	simm.s32 @!p0 $0x11400  }
0xa2: {  	[tilespmem:s24], [sflag:$0x4] =	stream.indirect.gather @!p0 [hbm4b:s4+s26], $0x40, s5, s26, $0xb8;
	[tilespmem:$0x1B400] =	vst v63  }
.LBB2_13:
0xa3: {  	_ =	swait.ge [sflag:s29], $0x2000  }
0xa4: {  	[sflag:s29] =	ssyncset.done $0x0  }
0xa5: {  	[sflag:s29] =	ssyncadd.s32 $0xFFFFE000  }
0xa6: {  	_ =	swait.ge [sflag:s29], $0x2000  }
0xa7: {  	[sflag:s29] =	ssyncset.done $0x0  }
0xa8: {  	s24 =	simm.s32 $0x0;
	[sflag:s29] =	ssyncadd.s32 $0xFFFFE000  }
0xa9: {  	v0 =	vld [tilespmem:s24+$0x3400]  }
0xaa: {  	v2 =	vld [tilespmem:s24+$0x3410]  }
0xab: {  	s26 =	simm.s32 $0x100;
	v1 =	vld [tilespmem:s24+$0x3420]  }
.LBB2_14:
0xac: {  	p0 =	sne.s32 s26, $0xFF00;
	v3 =	vld [tilespmem:s24+$0x3430];
	_ =	sdelay $0x1  }
0xad: {  	v0 =	vmul.f32 $8.000000000e+00, v0  }
.Ltmp13:
0xae: {  	v2 =	vmul.f32 $8.000000000e+00, v2;
	(pc) =	sbr.rel @p0 .LBB2_14-.Ltmp13, $4  }
0xaf: {  	s28 =	sshra.s32 s26, $0x2;
	v1 =	vmul.f32 $8.000000000e+00, v1;
	[tilespmem:s24+$0x3400] =	vst v0  }
0xb0: {  	v0 =	vld [tilespmem:s28+$0x3400];
	[tilespmem:s24+$0x3410] =	vst v2;
	v3 =	vmul.f32 $8.000000000e+00, v3  }
0xb1: {  	v2 =	vld [tilespmem:s28+$0x3410];
	[tilespmem:s24+$0x3420] =	vst v1  }
0xb2: {  	s26 =	sadd.s32 $0x100, s26;
	v1 =	vld [tilespmem:s28+$0x3420];
	[tilespmem:s24+$0x3430] =	vst v3;
	s24 =	smov.u32 s28  }
.Ltmp14:
0xb3: {  	_ = 	snop;
	(pc) =	sbr.rel .LBB2_15-.Ltmp14, $1  }
0xb4: {  	_ =	sdelay $0x3  }
.LBB2_19:
0xb5: {  	_ =	swait.ge [sflag:s16], $0x2000  }
0xb6: {  	[sflag:s16] =	ssyncset.done $0x0  }
0xb7: {  	[sflag:s16] =	ssyncadd.s32 $0xFFFFE000  }
0xb8: {  	_ =	swait.ge [sflag:s16], $0x2000  }
0xb9: {  	[sflag:s16] =	ssyncset.done $0x0  }
0xba: {  	s24 =	simm.s32 $0x0;
	[sflag:s16] =	ssyncadd.s32 $0xFFFFE000  }
0xbb: {  	v0 =	vld [tilespmem:s24+$0xF400]  }
0xbc: {  	v2 =	vld [tilespmem:s24+$0xF410]  }
0xbd: {  	s26 =	simm.s32 $0x100;
	v1 =	vld [tilespmem:s24+$0xF420]  }
.LBB2_20:
0xbe: {  	p0 =	sne.s32 s26, $0xFF00;
	v3 =	vld [tilespmem:s24+$0xF430];
	_ =	sdelay $0x1  }
0xbf: {  	v0 =	vmul.f32 $8.000000000e+00, v0  }
.Ltmp15:
0xc0: {  	v2 =	vmul.f32 $8.000000000e+00, v2;
	(pc) =	sbr.rel @p0 .LBB2_20-.Ltmp15, $4  }
0xc1: {  	s5 =	sshra.s32 s26, $0x2;
	[tilespmem:s24+$0xF400] =	vst v0;
	v1 =	vmul.f32 $8.000000000e+00, v1  }
0xc2: {  	v0 =	vld [tilespmem:s5+$0xF400];
	[tilespmem:s24+$0xF410] =	vst v2;
	v3 =	vmul.f32 $8.000000000e+00, v3  }
0xc3: {  	v2 =	vld [tilespmem:s5+$0xF410];
	[tilespmem:s24+$0xF420] =	vst v1  }
0xc4: {  	s26 =	sadd.s32 $0x100, s26;
	v1 =	vld [tilespmem:s5+$0xF420];
	[tilespmem:s24+$0xF430] =	vst v3;
	s24 =	smov.u32 s5  }
0xc5: {  	v3 =	vld [tilespmem:s24+$0xF430];
	_ =	sdelay $0x1  }
0xc6: {  	v0 =	vmul.f32 $8.000000000e+00, v0  }
0xc7: {  	v2 =	vmul.f32 $8.000000000e+00, v2  }
0xc8: {  	s5 =	sshll.u32 s23, $0xE;
	[tilespmem:s24+$0xF400] =	vst v0;
	v62 =	vmul.f32 $8.000000000e+00, v1  }
0xc9: {  	p0 =	sgt.u32 s23, $0x2E;
	s5 =	sadd.s32 s6, s5;
	[tilespmem:s24+$0xF410] =	vst v2;
	v63 =	vmul.f32 $8.000000000e+00, v3  }
0xca: {  	p1 =	seq.s32 @!p0 s23, $0x0;
	s5 =	sshrl.u32 s5, $0x3;
	[tilespmem:s24+$0xF420] =	vst v62  }
0xcb: {  	p1 =	por p1, p0;
	s5 =	sadd.s32 s2, s5;
	[tilespmem:s24+$0xF430] =	vst v63  }
0xcc: {  	[hbm4b:s5+s3] =	stream.linear.scatter [tilespmem:s21], [sflag:$0xA], $0x4000, $0x38;
	[tilespmem:$0x1B400] =	vst v63  }
0xcd: {  	s5 =	simm.s32 @!p1 $0x9  }
0xce: {  	_ =	swait.ge @!p1 [sflag:s5], $0x4000  }
0xcf: {  	s24 =	sshll.u32 @!p0 s23, $0x8;
	[sflag:s5] =	ssyncset.done @!p1 $0x0  }
.Ltmp16:
0xd0: {  	[sflag:s5] =	ssyncadd.s32 @!p1 $0xFFFFC000;
	s5 =	sand.u32 @!p0 $0x3FFFFF00, s24;
	(pc) =	sbr.rel .LBB2_25-.Ltmp16, $4  }
0xd1: {  	s26 =	simm.s32 @!p0 $0x80;
	s28 =	simm.s32 @!p0 $0xB400;
	s24 =	sadd.s32 @!p0 $0x500, s5  }
0xd2: {  	[tilespmem:s28], [sflag:$0x3] =	stream.indirect.gather @!p0 [hbm4b:s4+s26], $0x40, s24, s26, $0xb8;
	[tilespmem:$0x1B400] =	vst v63  }
0xd3: {  	s5 =	sadd.s32 @!p0 $0x580, s5;
	s24 =	simm.s32 @!p0 $0xD400  }
0xd4: {  	[tilespmem:s24], [sflag:$0x3] =	stream.indirect.gather @!p0 [hbm4b:s4+s26], $0x40, s5, s26, $0xb8;
	[tilespmem:$0x1B400] =	vst v63  }
.LBB2_16:
0xd5: {  	_ =	swait.ge [sflag:s31], $0x2000  }
0xd6: {  	[sflag:s31] =	ssyncset.done $0x0  }
0xd7: {  	[sflag:s31] =	ssyncadd.s32 $0xFFFFE000  }
0xd8: {  	_ =	swait.ge [sflag:s31], $0x2000  }
0xd9: {  	[sflag:s31] =	ssyncset.done $0x0  }
0xda: {  	s24 =	simm.s32 $0x0;
	[sflag:s31] =	ssyncadd.s32 $0xFFFFE000  }
0xdb: {  	v0 =	vld [tilespmem:s24+$0xB400]  }
0xdc: {  	v2 =	vld [tilespmem:s24+$0xB410]  }
0xdd: {  	s26 =	simm.s32 $0x100;
	v1 =	vld [tilespmem:s24+$0xB420]  }
.LBB2_17:
0xde: {  	p0 =	sne.s32 s26, $0xFF00;
	v3 =	vld [tilespmem:s24+$0xB430];
	_ =	sdelay $0x1  }
0xdf: {  	v0 =	vmul.f32 $8.000000000e+00, v0  }
.Ltmp17:
0xe0: {  	v2 =	vmul.f32 $8.000000000e+00, v2;
	(pc) =	sbr.rel @p0 .LBB2_17-.Ltmp17, $4  }
0xe1: {  	s5 =	sshra.s32 s26, $0x2;
	[tilespmem:s24+$0xB400] =	vst v0;
	v1 =	vmul.f32 $8.000000000e+00, v1  }
0xe2: {  	v0 =	vld [tilespmem:s5+$0xB400];
	[tilespmem:s24+$0xB410] =	vst v2;
	v3 =	vmul.f32 $8.000000000e+00, v3  }
0xe3: {  	v2 =	vld [tilespmem:s5+$0xB410];
	[tilespmem:s24+$0xB420] =	vst v1  }
0xe4: {  	s26 =	sadd.s32 $0x100, s26;
	v1 =	vld [tilespmem:s5+$0xB420];
	[tilespmem:s24+$0xB430] =	vst v3;
	s24 =	smov.u32 s5  }
0xe5: {  	v3 =	vld [tilespmem:s24+$0xB430];
	_ =	sdelay $0x1  }
0xe6: {  	v0 =	vmul.f32 $8.000000000e+00, v0  }
0xe7: {  	v2 =	vmul.f32 $8.000000000e+00, v2  }
0xe8: {  	s5 =	sshll.u32 s23, $0xE;
	[tilespmem:s24+$0xB400] =	vst v0;
	v62 =	vmul.f32 $8.000000000e+00, v1  }
0xe9: {  	p0 =	sgt.u32 s23, $0x2E;
	s5 =	sadd.s32 s6, s5;
	[tilespmem:s24+$0xB410] =	vst v2;
	v63 =	vmul.f32 $8.000000000e+00, v3  }
0xea: {  	p1 =	seq.s32 @!p0 s23, $0x0;
	s5 =	sshrl.u32 s5, $0x3;
	[tilespmem:s24+$0xB420] =	vst v62  }
0xeb: {  	p1 =	por p1, p0;
	s5 =	sadd.s32 s2, s5;
	[tilespmem:s24+$0xB430] =	vst v63  }
0xec: {  	[hbm4b:s5+s3] =	stream.linear.scatter [tilespmem:s17], [sflag:$0x9], $0x4000, $0x38;
	[tilespmem:$0x1B400] =	vst v63  }
0xed: {  	s5 =	simm.s32 @!p1 $0x8  }
0xee: {  	_ =	swait.ge @!p1 [sflag:s5], $0x4000  }
0xef: {  	s24 =	sshll.u32 @!p0 s23, $0x8;
	[sflag:s5] =	ssyncset.done @!p1 $0x0  }
.Ltmp18:
0xf0: {  	[sflag:s5] =	ssyncadd.s32 @!p1 $0xFFFFC000;
	s5 =	sand.u32 @!p0 $0x3FFFFF00, s24;
	(pc) =	sbr.rel .LBB2_25-.Ltmp18, $4  }
0xf1: {  	s26 =	simm.s32 @!p0 $0x80;
	s28 =	simm.s32 @!p0 $0x7400;
	s24 =	sadd.s32 @!p0 $0x500, s5  }
0xf2: {  	[tilespmem:s28], [sflag:$0x2] =	stream.indirect.gather @!p0 [hbm4b:s4+s26], $0x40, s24, s26, $0xb8;
	[tilespmem:$0x1B400] =	vst v63  }
0xf3: {  	s5 =	sadd.s32 @!p0 $0x580, s5;
	s24 =	simm.s32 @!p0 $0x9400  }
0xf4: {  	[tilespmem:s24], [sflag:$0x2] =	stream.indirect.gather @!p0 [hbm4b:s4+s26], $0x40, s5, s26, $0xb8;
	[tilespmem:$0x1B400] =	vst v63  }
.LBB2_22:
0xf5: {  	_ =	swait.ge [sflag:s19], $0x2000  }
0xf6: {  	[sflag:s19] =	ssyncset.done $0x0  }
0xf7: {  	[sflag:s19] =	ssyncadd.s32 $0xFFFFE000  }
0xf8: {  	_ =	swait.ge [sflag:s19], $0x2000  }
0xf9: {  	[sflag:s19] =	ssyncset.done $0x0  }
0xfa: {  	s24 =	simm.s32 $0x0;
	[sflag:s19] =	ssyncadd.s32 $0xFFFFE000  }
0xfb: {  	v0 =	vld [tilespmem:s24+$0x17400]  }
0xfc: {  	v2 =	vld [tilespmem:s24+$0x17410]  }
0xfd: {  	s26 =	simm.s32 $0x100;
	v1 =	vld [tilespmem:s24+$0x17420]  }
.LBB2_23:
0xfe: {  	p0 =	sne.s32 s26, $0xFF00;
	v3 =	vld [tilespmem:s24+$0x17430];
	_ =	sdelay $0x1  }
0xff: {  	v0 =	vmul.f32 $8.000000000e+00, v0  }
.Ltmp19:
0x100: {  	v2 =	vmul.f32 $8.000000000e+00, v2;
	(pc) =	sbr.rel @p0 .LBB2_23-.Ltmp19, $4  }
0x101: {  	s5 =	sshra.s32 s26, $0x2;
	[tilespmem:s24+$0x17400] =	vst v0;
	v1 =	vmul.f32 $8.000000000e+00, v1  }
0x102: {  	v0 =	vld [tilespmem:s5+$0x17400];
	[tilespmem:s24+$0x17410] =	vst v2;
	v3 =	vmul.f32 $8.000000000e+00, v3  }
0x103: {  	v2 =	vld [tilespmem:s5+$0x17410];
	[tilespmem:s24+$0x17420] =	vst v1  }
0x104: {  	s26 =	sadd.s32 $0x100, s26;
	v1 =	vld [tilespmem:s5+$0x17420];
	[tilespmem:s24+$0x17430] =	vst v3;
	s24 =	smov.u32 s5  }
0x105: {  	v3 =	vld [tilespmem:s24+$0x17430];
	_ =	sdelay $0x1  }
0x106: {  	v0 =	vmul.f32 $8.000000000e+00, v0  }
0x107: {  	v2 =	vmul.f32 $8.000000000e+00, v2  }
0x108: {  	s5 =	sshll.u32 s23, $0xE;
	[tilespmem:s24+$0x17400] =	vst v0;
	v62 =	vmul.f32 $8.000000000e+00, v1  }
0x109: {  	p0 =	sgt.u32 s23, $0x2E;
	s5 =	sadd.s32 s6, s5;
	[tilespmem:s24+$0x17410] =	vst v2;
	v63 =	vmul.f32 $8.000000000e+00, v3  }
0x10a: {  	p1 =	seq.s32 @!p0 s23, $0x0;
	s5 =	sshrl.u32 s5, $0x3;
	[tilespmem:s24+$0x17420] =	vst v62  }
0x10b: {  	p1 =	por p1, p0;
	s5 =	sadd.s32 s2, s5;
	[tilespmem:s24+$0x17430] =	vst v63  }
0x10c: {  	[hbm4b:s5+s3] =	stream.linear.scatter [tilespmem:s20], [sflag:$0xC], $0x4000, $0x38;
	[tilespmem:$0x1B400] =	vst v63  }
0x10d: {  	s5 =	simm.s32 @!p1 $0xB  }
0x10e: {  	_ =	swait.ge @!p1 [sflag:s5], $0x4000  }
0x10f: {  	s24 =	sshll.u32 @!p0 s23, $0x8;
	[sflag:s5] =	ssyncset.done @!p1 $0x0  }
.Ltmp20:
0x110: {  	[sflag:s5] =	ssyncadd.s32 @!p1 $0xFFFFC000;
	s5 =	sand.u32 @!p0 $0x3FFFFF00, s24;
	(pc) =	sbr.rel .LBB2_25-.Ltmp20, $4  }
0x111: {  	s26 =	simm.s32 @!p0 $0x80;
	s28 =	simm.s32 @!p0 $0x13400;
	s24 =	sadd.s32 @!p0 $0x500, s5  }
0x112: {  	[tilespmem:s28], [sflag:$0x5] =	stream.indirect.gather @!p0 [hbm4b:s4+s26], $0x40, s24, s26, $0xb8;
	[tilespmem:$0x1B400] =	vst v63  }
0x113: {  	s5 =	sadd.s32 @!p0 $0x580, s5;
	s24 =	simm.s32 @!p0 $0x15400  }
0x114: {  	[tilespmem:s24], [sflag:$0x5] =	stream.indirect.gather @!p0 [hbm4b:s4+s26], $0x40, s5, s26, $0xb8;
	[tilespmem:$0x1B400] =	vst v63  }
.LBB2_27:
0x115: {  	_ =	sfence.sel $0x180000  }
0x116: {  	[bflag:$0x0] =	sbarrier.arrive $0xFFFF  }
0x117: {  	_ =	strace $0x90000047  }
0x118: {  	s0 =	stileid.u32;
	[bflag:$0x2] =	sbarrier.arrive $0xFFFF  }
0x119: {  	p0 =	sne.s32 s0, $0x0;
	s0 =	rddreg [dreg:$0x2]  }
0x11a: {  	s0 =	sadd.s32 @!p0 $0x100000, s0  }
0x11b: {  	[sflag:s0] =	ssyncadd.tile.s32 @!p0 $0x1;
	_ =	shalt  }
.Lfunc_end2:
_tile_overlayer_lowered:
.L_overlay_start_2:
0x11c: {  	(tag) =	ssettag $0x2  }
0x11d: {  	s0 =	rddreg [dreg:$0x0];
	s2 =	stileid.u32  }
0x11e: {  	s1 =	rddreg [dreg:$0x1];
	p0 =	sne.s32 s2, $0x0  }
0x11f: {  	s3 =	rddreg [dreg:$0x2];
	[bflag:$0x3] =	sbarrier.arrive $0xFFFF;
	s2 =	simm.s32 @!p0 $0x1C0D  }
0x120: {  	[timem:s3], [sflag:s2] =	dma.local @!p0 [hbm:s0], s1  }
0x121: {  	s0 =	simm.s32 @!p0 $0xD  }
0x122: {  	_ =	swait.ge @!p0 [sflag:s0], s1  }
0x123: {  	s1 =	ssub.s32 @!p0 $0x0, s1;
	[sflag:s0] =	ssyncset.done @!p0 $0x0  }
0x124: {  	[sflag:s0] =	ssyncadd.s32 @!p0 s1  }
0x125: {  	[bflag:$0x3] =	sbarrier.arrive $0xFFFF  }
0x126: {  	_ =	shalt  }

// kernel: sparse-core-data-format-call.cloned.1.call-start
scs
called_computation_lowered:
.L_overlay_start_0:
0x0: {  	s2 =	sld [smem:$0x3FD9]  }
0x1: {  	s3 =	sld [smem:$0x3FFE];
	_ =	sdelay $0x1  }
0x2: {  	s1 =	srdreg.scid  }
0x3: {  	s0 =	sand.u32 $0x1, s1  }
0x4: {  	s18 =	sshll.u32 s0, $0xA;
	s2 =	sadd.s32 s3, s2  }
0x5: {  	s2 =	sadd.s32 s2, s18  }
0x6: {  	[smem:$0x3FC6] =	sst s2  }
0x7: {  	_ = 	snop  }
0x8: {  	s2 =	sld [smem:$0x3FD0];
	(tm) =	ssettm $0x1  }
0x9: {  	s19 =	sld [smem:$0x3FFB];
	_ =	sdelay $0x3  }
0xa: {  	_ =	strace s19  }
0xb: {  	s3 =	sld [smem:$0x3FFC];
	_ =	sdelay $0x3  }
0xc: {  	_ =	strace s3  }
0xd: {  	s3 =	sld [smem:$0x3FFD];
	_ =	sdelay $0x3  }
0xe: {  	_ =	strace s3  }
0xf: {  	_ =	strace $0x8FFFFFFF  }
0x10: {  	s20 =	sld [smem:$0x3FDB];
	_ =	sdelay $0x1  }
0x11: {  	s4 =	simm.s32 $_scs_section_size  }
0x12: {  	s5 =	simm.s32 $_size__tile_overlayer_lowered;
	s6 =	simm.s32 $_tile_overlayer_lowered  }
0x13: {  	s23 =	simm.s32 $0x1BFF;
	s22 =	sshll.u32 s6, $0x1;
	s3 =	sadd.s32 s4, s20  }
0x14: {  	s7 =	simm.s32 $0x0;
	s21 =	sshll.u32 s5, $0x1;
	s5 =	sadd.s32 s22, s3  }
0x15: {  	[timem:s7], [sflag:s23] =	dma.local [hbm:s5], s21  }
0x16: {  	_ =	swait.ge [sflag:s23], s21  }
0x17: {  	s4 =	ssub.s32 $0x0, s21;
	[sflag:s23] =	ssyncset.done $0x0  }
0x18: {  	[sflag:s23] =	ssyncadd.s32 s4;
	_ =	sdelay $0x1  }
0x19: {  	s24 =	simm.s32 $0x1B8B  }
0x1a: {  	_ =	swait.ge [sflag:s24], $0x1  }
0x1b: {  	[sflag:s24] =	ssyncset.done $0x0  }
0x1c: {  	s26 =	simm.s32 $0x1B8E;
	s25 =	sld [smem:$0x3FFE];
	[sflag:s24] =	ssyncadd.s32 $0xFFFFFFFF  }
0x1d: {  	s27 =	simm.s32 $execute0_lowered;
	[smem:$0x3FD2] =	sst s26  }
0x1e: {  	s5 =	sshll.u32 s27, $0x1;
	_ =	strace $0x80000049;
	[dreg:$0x1] =	wrdreg $0xFFFFFFFF  }
0x1f: {  	s28 =	simm.s32 $_size_execute0_lowered;
	s3 =	sadd.s32 s3, s5;
	[dreg:$0x0] =	wrdreg $0x0  }
0x20: {  	s5 =	sshll.u32 s28, $0x1;
	[dreg:$0x2] =	wrdreg s3  }
0x21: {  	[dreg:$0x3] =	wrdreg s5  }
0x22: {  	[dreg:$0x4] =	wrdreg $0xC0  }
0x23: {  	_ =	task [dreg:s7], $0x5FFFF  }
0x24: {  	[dreg:$0x1] =	wrdreg $0xFFFFFFFF  }
0x25: {  	[dreg:$0x0] =	wrdreg $0x60  }
0x26: {  	[dreg:$0x2] =	wrdreg s25  }
0x27: {  	[dreg:$0x3] =	wrdreg s2  }
0x28: {  	[dreg:$0x4] =	wrdreg $0x9  }
0x29: {  	_ =	task.clear_ibuf [dreg:s7], $0x5FFFF;
	_ =	strace $0x90000049  }
0x2a: {  	s29 =	simm.s32 $0x9;
	_ =	strace $0x8000004B  }
0x2b: {  	_ =	swait.ge [sflag:s29], $0x1  }
0x2c: {  	[sflag:s29] =	ssyncadd.s32 $0xFFFFFFFF  }
0x2d: {  	_ =	strace $0x9000004B  }
0x2e: {  	_ =	sfence  }
0x2f: {  	s30 =	sld [smem:$0x0];
	_ =	sdelay $0x2  }
0x30: {  	s31 =	sshll.u32 s1, $0xD;
	s1 =	sshrl.u32 s1, $0x2  }
0x31: {  	s3 =	sand.u32 $0x4000, s31;
	s1 =	sadd.s32 s1, s30  }
0x32: {  	s0 =	sor.u32 s3, s0;
	s1 =	sshll.u32 s1, $0x11  }
0x33: {  	s0 =	sor.u32 s1, s0  }
0x34: {  	s0 =	sadd.s32 $0x8F2B, s0  }
0x35: {  	[sflag:s0] =	ssyncadd.remote.s32 $0x1  }
0x36: {  	_ =	sfence.sel $0xFFFF  }
0x37: {  	[dreg:$0x0] =	wrdreg $0xFFFFFFFF;
	(pc) =	sbr.abs _section_cstart, $3  }
0x38: {  	[dreg:$0x1] =	wrdreg $0xFFFFFFFF  }
0x39: {  	_ =	task.clear_ibuf [dreg:s7], $0x2FFFF;
	_ =	strace $0x9FFFFFFF  }
0x3a: {  	(tm) =	ssettm $0x7FFFFFFF  }
0x3b: {  	_ =	shalt  }
tec
execute0_lowered:
.L_overlay_start_1:
0x0: {  	(tag) =	ssettag $0x1  }
0x1: {  	s0 =	srdreg.scid  }
0x2: {  	s1 =	sshll.u32 s0, $0x4  }
0x3: {  	s0 =	stileid.u32;
	s1 =	sand.u32 $0x10, s1  }
0x4: {  	s1 =	sor.u32 s0, s1  }
0x5: {  	s6 =	rddreg [dreg:$0x0];
	s4 =	simm.s32 $0x1;
	s2 =	sshll.u32 s1, $0x7  }
0x6: {  	s7 =	simm.s32 $0x2;
	s12 =	simm.s32 $0x0;
	s1 =	ssub.s32 $0x4000, s2  }
0x7: {  	s8 =	simm.s32 $0x20000;
	s13 =	simm.s32 $0x0;
	s3 =	sand.u32 $0xF80, s1  }
0x8: {  	s9 =	simm.s32 $0x0;
	s5 =	sshrl.u32 s1, $0xC;
	p0 =	sne.s32 s3, $0x0  }
.Ltmp0:
0x9: {  	s1 =	rddreg [dreg:$0x2];
	s4 =	simm.s32 @!p0 $0x0;
	(pc) =	sbr.rel .LBB1_1-.Ltmp0, $4  }
0xa: {  	s11 =	simm.s32 $0x0;
	s3 =	rddreg [dreg:$0x1];
	s5 =	sadd.s32 s4, s5  }
0xb: {  	_ =	strace $0x8000004A;
	s4 =	simm.s32 $0x1;
	s5 =	smul.u32 $0x1A, s5  }
0xc: {  	s6 =	sadd.s32 $0xA00, s6;
	s10 =	smov.u32 s2;
	[sflag:s4] =	ssyncpa.u1 $0x0  }
0xd: {  	p0 =	por $0x0, $0x0;
	[sflag:s7] =	ssyncpa.u1 $0x0;
	s7 =	sor.u32 $0x1, s5  }
.LBB1_4:
0xe: {  	s16 =	sshll.u32 s13, $0x3;
	s17 =	sand.u32 $0x78, s13  }
0xf: {  	s30 =	sand.u32 $0x1F800, s13;
	s12 =	sshll.u32 s12, $0x11;
	s16 =	sand.u32 $0x3C00, s16  }
0x10: {  	[tilespmem:s15+$0x810 ss:$0x81] =	vst.msk $0xffff, v2;
	s31 =	sand.u32 $0x7, s13;
	s16 =	sor.u32 s17, s16;
	s17 =	sadd.s32 s3, s30  }
0x11: {  	[tilespmem:s15+$0x1020 ss:$0x81] =	vst.msk $0xffff, v0;
	s13 =	sshll.u32 s31, $0x12;
	s12 =	sadd.s32 s12, s17;
	s16 =	sshrl.u32 s16, $0x3  }
0x12: {  	[tilespmem:s15+$0x0 ss:$0x81] =	vst.msk $0xffff, v1;
	s13 =	sor.u32 $0x400, s13;
	s12 =	sadd.s32 s16, s12  }
0x13: {  	[hbm4b:s12+s13] =	stream.strided.scatter [tilespmem:s14], [sflag:$0x2], $0x2000, s8, s13, $0x20;
	[tilespmem:$0x8080] =	vst v63  }
.LBB1_5:
0x14: {  	s14 =	sadd.s32 $0x1, s9  }
0x15: {  	s12 =	sadd.s32 $0x1000, s10;
	s16 =	smov.u32 s10;
	p2 =	sgt.s32 s14, $0x19  }
0x16: {  	s16 =	smov.u32 @p2 s12  }
0x17: {  	s14 =	simm.s32 @p2 $0x0;
	p2 =	sgt.s32 s16, $0x3FFF  }
0x18: {  	s16 =	smov.u32 @p2 s2;
	p2 =	sne.s32 s11, s7  }
.Ltmp1:
0x19: {  	p1 =	slt.u32 s11, $0x2;
	(pc) =	sbr.rel @!p2 .LBB1_6-.Ltmp1, $4  }
0x1a: {  	s15 =	simm.s32 @!p1 $0x2  }
0x1b: {  	s13 =	smov.u32 s10;
	p0 =	por !p0, !p0;
	_ =	swait.ge @!p1 [sflag:s15], $0x2000  }
0x1c: {  	s12 =	smov.u32 s9;
	[sflag:s15] =	ssyncset.done @!p1 $0x0;
	s9 =	smov.u32 s14  }
0x1d: {  	s11 =	sadd.s32 $0x1, s11;
	[sflag:s15] =	ssyncadd.s32 @!p1 $0xFFFFE000;
	s10 =	smov.u32 s16  }
.LBB1_1:
0x1e: {  	p1 =	sge.u32 s11, s5  }
0x1f: {  	s31 =	sadd.s32 $0xFFFFFFFF, s11;
	s14 =	sxor.u32 @!p1 $0xFFFFFFFF, s11  }
0x20: {  	s15 =	sshll.u32 @!p1 s10, $0x9;
	s16 =	sshll.u32 @!p1 s9, $0x4;
	s17 =	simm.s32 @!p1 $0x1000  }
0x21: {  	s14 =	sshll.u32 @!p1 s14, $0xD;
	s16 =	sand.u32 @!p1 $0x1F0, s16;
	s15 =	sadd.s32 @!p1 s6, s15  }
0x22: {  	s14 =	sand.u32 @!p1 $0x2000, s14;
	s15 =	sadd.s32 @!p1 s16, s15;
	s16 =	simm.s32 @!p1 $0x40  }
0x23: {  	[tilespmem:s14], [sflag:$0x1] =	stream.strided.gather @!p1 [hbm4b:s15+s16], $0x2000, s17, s16, $0x38;
	[tilespmem:$0x8080] =	vst v63  }
0x24: {  	p1 =	sge.u32 s31, s5  }
.Ltmp2:
0x25: {  	_ = 	snop;
	(pc) =	sbr.rel @p1 .LBB1_5-.Ltmp2, $1  }
0x26: {  	_ =	sdelay $0x3  }
0x27: {  	s14 =	simm.s32 $0x1  }
0x28: {  	_ =	swait.ge [sflag:s4], $0x2000;
	s14 =	simm.s32 @!p0 $0x0  }
0x29: {  	[sflag:s4] =	ssyncset.done $0x0;
	s15 =	sshll.u32 s14, $0xD  }
0x2a: {  	[sflag:s4] =	ssyncadd.s32 $0xFFFFE000;
	s18 =	sor.u32 $0x20, s15  }
0x2b: {  	s14 =	smul.u32 $0x8100, s14;
	v3 =	vld [tilespmem:s18+$0x10]  }
0x2c: {  	s30 =	sand.u32 $0x1, s11;
	v2 =	vld [tilespmem:s18+$0xFFFFFFF0]  }
0x2d: {  	s15 =	smul.u32 $0x8100, s30;
	s14 =	sshrl.u32 s14, $0x2;
	v0 =	vld [tilespmem:s18+$0x0]  }
0x2e: {  	v1 =	vld [tilespmem:s18+$0xFFFFFFE0];
	s16 =	sor.u32 $0x4000, s14  }
0x2f: {  	s31 =	sshrl.u32 s15, $0x2;
	s15 =	sadd.s32 $0x0, s16  }
0x30: {  	s17 =	simm.s32 $0x4;
	s18 =	sadd.s32 $0x40, s18;
	s14 =	sor.u32 $0x4000, s31;
	[tilespmem:s15+$0x1830 ss:$0x81] =	vst.msk $0xffff, v3  }
.LBB1_3:
0x31: {  	v3 =	vld [tilespmem:s18+$0x10];
	p1 =	sne.s32 s17, $0x1FC;
	[tilespmem:s15+$0x810 ss:$0x81] =	vst.msk $0xffff, v2;
	s19 =	smov.u32 s17;
	s17 =	sadd.s32 $0x4, s17  }
.Ltmp3:
0x32: {  	v2 =	vld [tilespmem:s18+$0xFFFFFFF0];
	[tilespmem:s15+$0x1020 ss:$0x81] =	vst.msk $0xffff, v0;
	(pc) =	sbr.rel @p1 .LBB1_3-.Ltmp3, $4  }
0x33: {  	v0 =	vld [tilespmem:s18+$0x0];
	[tilespmem:s15+$0x0 ss:$0x81] =	vst.msk $0xffff, v1  }
0x34: {  	s15 =	sshra.s32 s19, $0x2;
	v1 =	vld [tilespmem:s18+$0xFFFFFFE0]  }
0x35: {  	s15 =	sadd.s32 s15, s16  }
0x36: {  	s18 =	sadd.s32 $0x40, s18;
	[tilespmem:s15+$0x1830 ss:$0x81] =	vst.msk $0xffff, v3  }
.Ltmp4:
0x37: {  	_ = 	snop;
	(pc) =	sbr.rel .LBB1_4-.Ltmp4, $1  }
0x38: {  	_ =	sdelay $0x3  }
.LBB1_6:
0x39: {  	_ =	sfence.sel $0x180000  }
0x3a: {  	s2 =	simm.s32 $0x1;
	[bflag:$0x0] =	sbarrier.arrive $0xFFFF  }
0x3b: {  	s31 =	simm.s32 $0x2;
	[sflag:s2] =	ssyncpa.u1 $0x1  }
0x3c: {  	[sflag:s31] =	ssyncpa.u1 $0x1  }
0x3d: {  	p0 =	sne.s32 s0, $0x0;
	_ =	strace $0x9000004A  }
0x3e: {  	s0 =	sadd.s32 @!p0 $0x100000, s1;
	[bflag:$0x2] =	sbarrier.arrive $0xFFFF  }
0x3f: {  	[sflag:s0] =	ssyncadd.tile.s32 @!p0 $0x1;
	_ =	shalt  }
.Lfunc_end1:
_tile_overlayer_lowered:
.L_overlay_start_2:
0x40: {  	(tag) =	ssettag $0x2  }
0x41: {  	s0 =	rddreg [dreg:$0x0];
	s2 =	stileid.u32  }
0x42: {  	s1 =	rddreg [dreg:$0x1];
	p0 =	sne.s32 s2, $0x0  }
0x43: {  	s3 =	rddreg [dreg:$0x2];
	[bflag:$0x3] =	sbarrier.arrive $0xFFFF;
	s2 =	simm.s32 @!p0 $0x1C01  }
0x44: {  	[timem:s3], [sflag:s2] =	dma.local @!p0 [hbm:s0], s1  }
0x45: {  	s0 =	simm.s32 @!p0 $0x1  }
0x46: {  	_ =	swait.ge @!p0 [sflag:s0], s1  }
0x47: {  	s1 =	ssub.s32 @!p0 $0x0, s1;
	[sflag:s0] =	ssyncset.done @!p0 $0x0  }
0x48: {  	[sflag:s0] =	ssyncadd.s32 @!p0 s1  }
0x49: {  	[bflag:$0x3] =	sbarrier.arrive $0xFFFF  }
0x4a: {  	_ =	shalt  }

</sc_bundles>
